<compile_context>
chip_gen: v7x
topology: tpu7x:2x2x1
jax: 0.10.2.dev20260603
libtpu: 0.0.44.dev20260713+nightly
codegen_flags: <defaults>
</compile_context>

<pallas_src>
import math

import jax
import jax.numpy as jnp
from jax import lax
from jax.experimental import pallas as pl
from jax.experimental.pallas import tpu as pltpu
from jax.experimental.pallas import tpu_sc as plsc

D_MODEL = 64
VOCAB = 1000000
BATCH = 4096
SEQ = 200
SCALE = math.sqrt(D_MODEL)

NC, NS, L = 2, 16, 16
NW = NC * NS
ROWS_PER_W = BATCH // NW
NBUF = 8
OUTER = ROWS_PER_W // NBUF


def _emb_body(x_hbm, table_hbm, out_hbm, idx_v, *scratch):
    rows = scratch[:NBUF]
    gsem = scratch[NBUF:2 * NBUF]
    ssem = scratch[2 * NBUF:3 * NBUF]

    wid = lax.axis_index("s") * NC + lax.axis_index("c")
    row0 = wid * ROWS_PER_W

    pltpu.sync_copy(x_hbm.at[pl.ds(row0, ROWS_PER_W)], idx_v)

    def outer(o, carry):
        for b in range(NBUF):
            i = o * NBUF + b

            @pl.when(o > 0)
            def _drain_prev_scatter(b=b):
                pltpu.make_async_copy(
                    rows[b], out_hbm.at[0], ssem[b]).wait()

            pltpu.async_copy(table_hbm.at[idx_v.at[i]], rows[b], gsem[b])
        for b in range(NBUF):
            i = o * NBUF + b
            pltpu.make_async_copy(
                table_hbm.at[idx_v.at[i]], rows[b], gsem[b]).wait()

            def scale_row(t, c, b=b):
                for j in range(D_MODEL // L):
                    rows[b][t, pl.ds(j * L, L)] = (
                        rows[b][t, pl.ds(j * L, L)] * SCALE)
                return c

            lax.fori_loop(0, SEQ, scale_row, 0)
            pltpu.async_copy(rows[b], out_hbm.at[row0 + i], ssem[b])
        return carry

    lax.fori_loop(0, OUTER, outer, 0)
    for b in range(NBUF):
        pltpu.make_async_copy(rows[b], out_hbm.at[0], ssem[b]).wait()


_emb = pl.kernel(
    _emb_body,
    out_type=jax.ShapeDtypeStruct((BATCH, SEQ, D_MODEL), jnp.float32),
    mesh=plsc.VectorSubcoreMesh(
        core_axis_name="c", subcore_axis_name="s",
        num_cores=NC, num_subcores=NS),
    compiler_params=pltpu.CompilerParams(use_tc_tiling_on_sc=False),
    scratch_types=(
        [pltpu.VMEM((ROWS_PER_W, SEQ), jnp.int32)]
        + [pltpu.VMEM((SEQ, D_MODEL), jnp.float32) for _ in range(NBUF)]
        + [pltpu.SemaphoreType.DMA for _ in range(2 * NBUF)]
    ),
)


def kernel(x, table):
    return _emb(x, table)

# --- scband reference (transcript-rebuilt; emitter-appended) ---
"""Pipeline reference for scband-word-embedding-4209067950097 (READ-ONLY COPY).

The authoritative reference and input builder live on the scoring server;
editing this copy changes nothing except your own understanding.
"""

import jax, jax.numpy as jnp
import numpy as np
import math

D_MODEL = 64
VOCAB = 1000000

def setup_inputs(seed: int = 0) -> dict:
    key = jax.random.key(seed)
    k1, k2 = jax.random.split(key)
    x = jax.random.randint(k1, (4096, 200), 0, VOCAB, dtype=jnp.int64 if jax.config.read('jax_enable_x64') else jnp.int32)
    table = jax.random.normal(k2, (VOCAB, D_MODEL), dtype=jnp.float32)
    return {"x": x, "table": table}

def reference(x, table):
    emb = jnp.take(table, x, axis=0)
    return emb * math.sqrt(D_MODEL)

if __name__ == "__main__":
    import jax
    _d = setup_inputs()
    print(jax.jit(kernel)(*tuple(_d.values())))

</pallas_src>

<mosaic_0001>
#map = affine_map<(d0, d1) -> (0, 0)>
#map1 = affine_map<(d0, d1) -> (0, 0, 0)>
module attributes {stable_mosaic.version = 14 : i64} {
  func.func @_emb_body(%arg0: i32, %arg1: i32, %arg2: memref<4096x200xi32, #tpu.memory_space<hbm>>, %arg3: memref<1000000x64xf32, #tpu.memory_space<hbm>>, %arg4: memref<4096x200x64xf32, #tpu.memory_space<hbm>>, %arg5: memref<128x200xi32, #tpu.memory_space<vmem>>, %arg6: memref<200x64xf32, #tpu.memory_space<vmem>>, %arg7: memref<200x64xf32, #tpu.memory_space<vmem>>, %arg8: memref<200x64xf32, #tpu.memory_space<vmem>>, %arg9: memref<200x64xf32, #tpu.memory_space<vmem>>, %arg10: memref<200x64xf32, #tpu.memory_space<vmem>>, %arg11: memref<200x64xf32, #tpu.memory_space<vmem>>, %arg12: memref<200x64xf32, #tpu.memory_space<vmem>>, %arg13: memref<200x64xf32, #tpu.memory_space<vmem>>, %arg14: memref<!tpu.dma_semaphore, #tpu.memory_space<semaphore_mem>>, %arg15: memref<!tpu.dma_semaphore, #tpu.memory_space<semaphore_mem>>, %arg16: memref<!tpu.dma_semaphore, #tpu.memory_space<semaphore_mem>>, %arg17: memref<!tpu.dma_semaphore, #tpu.memory_space<semaphore_mem>>, %arg18: memref<!tpu.dma_semaphore, #tpu.memory_space<semaphore_mem>>, %arg19: memref<!tpu.dma_semaphore, #tpu.memory_space<semaphore_mem>>, %arg20: memref<!tpu.dma_semaphore, #tpu.memory_space<semaphore_mem>>, %arg21: memref<!tpu.dma_semaphore, #tpu.memory_space<semaphore_mem>>, %arg22: memref<!tpu.dma_semaphore, #tpu.memory_space<semaphore_mem>>, %arg23: memref<!tpu.dma_semaphore, #tpu.memory_space<semaphore_mem>>, %arg24: memref<!tpu.dma_semaphore, #tpu.memory_space<semaphore_mem>>, %arg25: memref<!tpu.dma_semaphore, #tpu.memory_space<semaphore_mem>>, %arg26: memref<!tpu.dma_semaphore, #tpu.memory_space<semaphore_mem>>, %arg27: memref<!tpu.dma_semaphore, #tpu.memory_space<semaphore_mem>>, %arg28: memref<!tpu.dma_semaphore, #tpu.memory_space<semaphore_mem>>, %arg29: memref<!tpu.dma_semaphore, #tpu.memory_space<semaphore_mem>>) attributes {dimension_semantics = [#tpu.dimension_semantics<core_parallel>, #tpu.dimension_semantics<subcore_parallel>], iteration_bounds = array<i64: 2, 16>, scalar_prefetch = 0 : i64, scratch_operands = 25 : i64, tpu.core_type = #tpu.core_type<sc_vector_subcore>, window_params = [{transform_indices = #map}, {transform_indices = #map}, {transform_indices = #map1}]} {
    %mul3A = arith.constant 2 : i32
    %mul3A_0 = arith.muli %arg1, %mul3A : i32
    %add3A = arith.addi %mul3A_0, %arg0 : i32
    %mul3A_1 = arith.constant 128 : i32
    %mul3A_2 = arith.muli %add3A, %mul3A_1 : i32
    "tpu.region"() ({
      %run_scoped3A = tpu.sem_alloc : memref<!tpu.dma_semaphore, #tpu.memory_space<semaphore_mem>>
      %dma_start3A = arith.constant 0 : i32
      %dma_start3A_79 = tpu.memref_slice %arg2[%mul3A_2, %dma_start3A] : memref<4096x200xi32, #tpu.memory_space<hbm>> -> memref<128x200xi32, #tpu.memory_space<hbm>>
      %dma_start3A_80 = arith.constant 0 : i32
      %dma_start3A_81 = tpu.memref_slice %arg2[%mul3A_2, %dma_start3A_80] : memref<4096x200xi32, #tpu.memory_space<hbm>> -> memref<128x200xi32, #tpu.memory_space<hbm>>
      tpu.enqueue_dma source(%dma_start3A_81 : memref<128x200xi32, #tpu.memory_space<hbm>>) target(%arg5 : memref<128x200xi32, #tpu.memory_space<vmem>>) target_semaphore(%run_scoped3A : memref<!tpu.dma_semaphore, #tpu.memory_space<semaphore_mem>>)
      %dma_wait3A_82 = arith.constant 0 : i32
      %dma_wait3A_83 = tpu.memref_slice %arg2[%mul3A_2, %dma_wait3A_82] : memref<4096x200xi32, #tpu.memory_space<hbm>> -> memref<128x200xi32, #tpu.memory_space<hbm>>
      %dma_wait3A_84 = arith.constant 0 : i32
      %dma_wait3A_85 = tpu.memref_slice %arg2[%mul3A_2, %dma_wait3A_84] : memref<4096x200xi32, #tpu.memory_space<hbm>> -> memref<128x200xi32, #tpu.memory_space<hbm>>
      tpu.wait_dma2 semaphore(%run_scoped3A : memref<!tpu.dma_semaphore, #tpu.memory_space<semaphore_mem>>) src(%dma_wait3A_85 : memref<128x200xi32, #tpu.memory_space<hbm>>) dst(%arg5 : memref<128x200xi32, #tpu.memory_space<vmem>>)
      tpu.yield
    }) : () -> ()
    %scan3A = arith.constant 0 : i32
    %scan3A_3 = arith.constant 0 : i32
    %scan3A_4 = arith.constant 16 : i32
    %scan3A_5 = arith.addi %scan3A_3, %scan3A_4 : i32
    %scan3A_6 = arith.constant 1 : i32
    scf.for %scan3A_79 = %scan3A_3 to %scan3A_5 step %scan3A_6  : i32 {
      %mul3A_80 = arith.constant 8 : i32
      %mul3A_81 = arith.muli %scan3A_79, %mul3A_80 : i32
      %add3A_82 = arith.constant 0 : i32
      %add3A_83 = arith.addi %mul3A_81, %add3A_82 : i32
      %gt3A = arith.constant 0 : i32
      %gt3A_84 = arith.cmpi sgt, %scan3A_79, %gt3A : i32
      %convert_element_type3A = arith.extui %gt3A_84 : i1 to i32
      %cond3A = arith.constant 0 : i32
      %cond3A_85 = arith.cmpi ne, %convert_element_type3A, %cond3A : i32
      scf.if %cond3A_85 {
        %dma_wait3A_396 = arith.constant 0 : i32
        %dma_wait3A_397 = arith.constant 0 : i32
        %dma_wait3A_398 = arith.constant 0 : i32
        %dma_wait3A_399 = tpu.memref_slice %arg4[%dma_wait3A_396, %dma_wait3A_397, %dma_wait3A_398] : memref<4096x200x64xf32, #tpu.memory_space<hbm>> -> memref<1x200x64xf32, #tpu.memory_space<hbm>>
        %dma_wait3A_400 = tpu.memref_squeeze %dma_wait3A_399 : memref<1x200x64xf32, #tpu.memory_space<hbm>> -> memref<200x64xf32, #tpu.memory_space<hbm>>
        %dma_wait3A_401 = arith.constant 0 : i32
        %dma_wait3A_402 = arith.constant 0 : i32
        %dma_wait3A_403 = tpu.memref_slice %arg4[%dma_wait3A_396, %dma_wait3A_401, %dma_wait3A_402] : memref<4096x200x64xf32, #tpu.memory_space<hbm>> -> memref<1x200x64xf32, #tpu.memory_space<hbm>>
        %dma_wait3A_404 = tpu.memref_squeeze %dma_wait3A_403 : memref<1x200x64xf32, #tpu.memory_space<hbm>> -> memref<200x64xf32, #tpu.memory_space<hbm>>
        tpu.wait_dma2 semaphore(%arg22 : memref<!tpu.dma_semaphore, #tpu.memory_space<semaphore_mem>>) src(%arg6 : memref<200x64xf32, #tpu.memory_space<vmem>>) dst(%dma_wait3A_404 : memref<200x64xf32, #tpu.memory_space<hbm>>)
      } else {
      }
      %dma_start3A = arith.constant 0 : i32
      %dma_start3A_86 = tpu.memref_slice %arg5[%add3A_83, %dma_start3A] : memref<128x200xi32, #tpu.memory_space<vmem>> -> memref<1x200xi32, #tpu.memory_space<vmem>>
      %dma_start3A_87 = tpu.memref_squeeze %dma_start3A_86 : memref<1x200xi32, #tpu.memory_space<vmem>> -> memref<200xi32, #tpu.memory_space<vmem>>
      %dma_start3A_88 = arith.constant 0 : i32
      %dma_start3A_89 = arith.constant 0 : i32
      %dma_start3A_90 = tpu.memref_slice %arg3[%dma_start3A_88, %dma_start3A_89] : memref<1000000x64xf32, #tpu.memory_space<hbm>> -> memref<1000000x64xf32, #tpu.memory_space<hbm>>
      tpu.enqueue_indirect_dma source(%dma_start3A_90 : memref<1000000x64xf32, #tpu.memory_space<hbm>>) target(%arg6 : memref<200x64xf32, #tpu.memory_space<vmem>>) offsets(%dma_start3A_87 : memref<200xi32, #tpu.memory_space<vmem>>) semaphore(%arg14 : memref<!tpu.dma_semaphore, #tpu.memory_space<semaphore_mem>>)
      %mul3A_91 = arith.constant 8 : i32
      %mul3A_92 = arith.muli %scan3A_79, %mul3A_91 : i32
      %add3A_93 = arith.constant 1 : i32
      %add3A_94 = arith.addi %mul3A_92, %add3A_93 : i32
      %gt3A_95 = arith.constant 0 : i32
      %gt3A_96 = arith.cmpi sgt, %scan3A_79, %gt3A_95 : i32
      %convert_element_type3A_97 = arith.extui %gt3A_96 : i1 to i32
      %cond3A_98 = arith.constant 0 : i32
      %cond3A_99 = arith.cmpi ne, %convert_element_type3A_97, %cond3A_98 : i32
      scf.if %cond3A_99 {
        %dma_wait3A_396 = arith.constant 0 : i32
        %dma_wait3A_397 = arith.constant 0 : i32
        %dma_wait3A_398 = arith.constant 0 : i32
        %dma_wait3A_399 = tpu.memref_slice %arg4[%dma_wait3A_396, %dma_wait3A_397, %dma_wait3A_398] : memref<4096x200x64xf32, #tpu.memory_space<hbm>> -> memref<1x200x64xf32, #tpu.memory_space<hbm>>
        %dma_wait3A_400 = tpu.memref_squeeze %dma_wait3A_399 : memref<1x200x64xf32, #tpu.memory_space<hbm>> -> memref<200x64xf32, #tpu.memory_space<hbm>>
        %dma_wait3A_401 = arith.constant 0 : i32
        %dma_wait3A_402 = arith.constant 0 : i32
        %dma_wait3A_403 = tpu.memref_slice %arg4[%dma_wait3A_396, %dma_wait3A_401, %dma_wait3A_402] : memref<4096x200x64xf32, #tpu.memory_space<hbm>> -> memref<1x200x64xf32, #tpu.memory_space<hbm>>
        %dma_wait3A_404 = tpu.memref_squeeze %dma_wait3A_403 : memref<1x200x64xf32, #tpu.memory_space<hbm>> -> memref<200x64xf32, #tpu.memory_space<hbm>>
        tpu.wait_dma2 semaphore(%arg23 : memref<!tpu.dma_semaphore, #tpu.memory_space<semaphore_mem>>) src(%arg7 : memref<200x64xf32, #tpu.memory_space<vmem>>) dst(%dma_wait3A_404 : memref<200x64xf32, #tpu.memory_space<hbm>>)
      } else {
      }
      %dma_start3A_100 = arith.constant 0 : i32
      %dma_start3A_101 = tpu.memref_slice %arg5[%add3A_94, %dma_start3A_100] : memref<128x200xi32, #tpu.memory_space<vmem>> -> memref<1x200xi32, #tpu.memory_space<vmem>>
      %dma_start3A_102 = tpu.memref_squeeze %dma_start3A_101 : memref<1x200xi32, #tpu.memory_space<vmem>> -> memref<200xi32, #tpu.memory_space<vmem>>
      %dma_start3A_103 = arith.constant 0 : i32
      %dma_start3A_104 = arith.constant 0 : i32
      %dma_start3A_105 = tpu.memref_slice %arg3[%dma_start3A_103, %dma_start3A_104] : memref<1000000x64xf32, #tpu.memory_space<hbm>> -> memref<1000000x64xf32, #tpu.memory_space<hbm>>
      tpu.enqueue_indirect_dma source(%dma_start3A_105 : memref<1000000x64xf32, #tpu.memory_space<hbm>>) target(%arg7 : memref<200x64xf32, #tpu.memory_space<vmem>>) offsets(%dma_start3A_102 : memref<200xi32, #tpu.memory_space<vmem>>) semaphore(%arg15 : memref<!tpu.dma_semaphore, #tpu.memory_space<semaphore_mem>>)
      %mul3A_106 = arith.constant 8 : i32
      %mul3A_107 = arith.muli %scan3A_79, %mul3A_106 : i32
      %add3A_108 = arith.constant 2 : i32
      %add3A_109 = arith.addi %mul3A_107, %add3A_108 : i32
      %gt3A_110 = arith.constant 0 : i32
      %gt3A_111 = arith.cmpi sgt, %scan3A_79, %gt3A_110 : i32
      %convert_element_type3A_112 = arith.extui %gt3A_111 : i1 to i32
      %cond3A_113 = arith.constant 0 : i32
      %cond3A_114 = arith.cmpi ne, %convert_element_type3A_112, %cond3A_113 : i32
      scf.if %cond3A_114 {
        %dma_wait3A_396 = arith.constant 0 : i32
        %dma_wait3A_397 = arith.constant 0 : i32
        %dma_wait3A_398 = arith.constant 0 : i32
        %dma_wait3A_399 = tpu.memref_slice %arg4[%dma_wait3A_396, %dma_wait3A_397, %dma_wait3A_398] : memref<4096x200x64xf32, #tpu.memory_space<hbm>> -> memref<1x200x64xf32, #tpu.memory_space<hbm>>
        %dma_wait3A_400 = tpu.memref_squeeze %dma_wait3A_399 : memref<1x200x64xf32, #tpu.memory_space<hbm>> -> memref<200x64xf32, #tpu.memory_space<hbm>>
        %dma_wait3A_401 = arith.constant 0 : i32
        %dma_wait3A_402 = arith.constant 0 : i32
        %dma_wait3A_403 = tpu.memref_slice %arg4[%dma_wait3A_396, %dma_wait3A_401, %dma_wait3A_402] : memref<4096x200x64xf32, #tpu.memory_space<hbm>> -> memref<1x200x64xf32, #tpu.memory_space<hbm>>
        %dma_wait3A_404 = tpu.memref_squeeze %dma_wait3A_403 : memref<1x200x64xf32, #tpu.memory_space<hbm>> -> memref<200x64xf32, #tpu.memory_space<hbm>>
        tpu.wait_dma2 semaphore(%arg24 : memref<!tpu.dma_semaphore, #tpu.memory_space<semaphore_mem>>) src(%arg8 : memref<200x64xf32, #tpu.memory_space<vmem>>) dst(%dma_wait3A_404 : memref<200x64xf32, #tpu.memory_space<hbm>>)
      } else {
      }
      %dma_start3A_115 = arith.constant 0 : i32
      %dma_start3A_116 = tpu.memref_slice %arg5[%add3A_109, %dma_start3A_115] : memref<128x200xi32, #tpu.memory_space<vmem>> -> memref<1x200xi32, #tpu.memory_space<vmem>>
      %dma_start3A_117 = tpu.memref_squeeze %dma_start3A_116 : memref<1x200xi32, #tpu.memory_space<vmem>> -> memref<200xi32, #tpu.memory_space<vmem>>
      %dma_start3A_118 = arith.constant 0 : i32
      %dma_start3A_119 = arith.constant 0 : i32
      %dma_start3A_120 = tpu.memref_slice %arg3[%dma_start3A_118, %dma_start3A_119] : memref<1000000x64xf32, #tpu.memory_space<hbm>> -> memref<1000000x64xf32, #tpu.memory_space<hbm>>
      tpu.enqueue_indirect_dma source(%dma_start3A_120 : memref<1000000x64xf32, #tpu.memory_space<hbm>>) target(%arg8 : memref<200x64xf32, #tpu.memory_space<vmem>>) offsets(%dma_start3A_117 : memref<200xi32, #tpu.memory_space<vmem>>) semaphore(%arg16 : memref<!tpu.dma_semaphore, #tpu.memory_space<semaphore_mem>>)
      %mul3A_121 = arith.constant 8 : i32
      %mul3A_122 = arith.muli %scan3A_79, %mul3A_121 : i32
      %add3A_123 = arith.constant 3 : i32
      %add3A_124 = arith.addi %mul3A_122, %add3A_123 : i32
      %gt3A_125 = arith.constant 0 : i32
      %gt3A_126 = arith.cmpi sgt, %scan3A_79, %gt3A_125 : i32
      %convert_element_type3A_127 = arith.extui %gt3A_126 : i1 to i32
      %cond3A_128 = arith.constant 0 : i32
      %cond3A_129 = arith.cmpi ne, %convert_element_type3A_127, %cond3A_128 : i32
      scf.if %cond3A_129 {
        %dma_wait3A_396 = arith.constant 0 : i32
        %dma_wait3A_397 = arith.constant 0 : i32
        %dma_wait3A_398 = arith.constant 0 : i32
        %dma_wait3A_399 = tpu.memref_slice %arg4[%dma_wait3A_396, %dma_wait3A_397, %dma_wait3A_398] : memref<4096x200x64xf32, #tpu.memory_space<hbm>> -> memref<1x200x64xf32, #tpu.memory_space<hbm>>
        %dma_wait3A_400 = tpu.memref_squeeze %dma_wait3A_399 : memref<1x200x64xf32, #tpu.memory_space<hbm>> -> memref<200x64xf32, #tpu.memory_space<hbm>>
        %dma_wait3A_401 = arith.constant 0 : i32
        %dma_wait3A_402 = arith.constant 0 : i32
        %dma_wait3A_403 = tpu.memref_slice %arg4[%dma_wait3A_396, %dma_wait3A_401, %dma_wait3A_402] : memref<4096x200x64xf32, #tpu.memory_space<hbm>> -> memref<1x200x64xf32, #tpu.memory_space<hbm>>
        %dma_wait3A_404 = tpu.memref_squeeze %dma_wait3A_403 : memref<1x200x64xf32, #tpu.memory_space<hbm>> -> memref<200x64xf32, #tpu.memory_space<hbm>>
        tpu.wait_dma2 semaphore(%arg25 : memref<!tpu.dma_semaphore, #tpu.memory_space<semaphore_mem>>) src(%arg9 : memref<200x64xf32, #tpu.memory_space<vmem>>) dst(%dma_wait3A_404 : memref<200x64xf32, #tpu.memory_space<hbm>>)
      } else {
      }
      %dma_start3A_130 = arith.constant 0 : i32
      %dma_start3A_131 = tpu.memref_slice %arg5[%add3A_124, %dma_start3A_130] : memref<128x200xi32, #tpu.memory_space<vmem>> -> memref<1x200xi32, #tpu.memory_space<vmem>>
      %dma_start3A_132 = tpu.memref_squeeze %dma_start3A_131 : memref<1x200xi32, #tpu.memory_space<vmem>> -> memref<200xi32, #tpu.memory_space<vmem>>
      %dma_start3A_133 = arith.constant 0 : i32
      %dma_start3A_134 = arith.constant 0 : i32
      %dma_start3A_135 = tpu.memref_slice %arg3[%dma_start3A_133, %dma_start3A_134] : memref<1000000x64xf32, #tpu.memory_space<hbm>> -> memref<1000000x64xf32, #tpu.memory_space<hbm>>
      tpu.enqueue_indirect_dma source(%dma_start3A_135 : memref<1000000x64xf32, #tpu.memory_space<hbm>>) target(%arg9 : memref<200x64xf32, #tpu.memory_space<vmem>>) offsets(%dma_start3A_132 : memref<200xi32, #tpu.memory_space<vmem>>) semaphore(%arg17 : memref<!tpu.dma_semaphore, #tpu.memory_space<semaphore_mem>>)
      %mul3A_136 = arith.constant 8 : i32
      %mul3A_137 = arith.muli %scan3A_79, %mul3A_136 : i32
      %add3A_138 = arith.constant 4 : i32
      %add3A_139 = arith.addi %mul3A_137, %add3A_138 : i32
      %gt3A_140 = arith.constant 0 : i32
      %gt3A_141 = arith.cmpi sgt, %scan3A_79, %gt3A_140 : i32
      %convert_element_type3A_142 = arith.extui %gt3A_141 : i1 to i32
      %cond3A_143 = arith.constant 0 : i32
      %cond3A_144 = arith.cmpi ne, %convert_element_type3A_142, %cond3A_143 : i32
      scf.if %cond3A_144 {
        %dma_wait3A_396 = arith.constant 0 : i32
        %dma_wait3A_397 = arith.constant 0 : i32
        %dma_wait3A_398 = arith.constant 0 : i32
        %dma_wait3A_399 = tpu.memref_slice %arg4[%dma_wait3A_396, %dma_wait3A_397, %dma_wait3A_398] : memref<4096x200x64xf32, #tpu.memory_space<hbm>> -> memref<1x200x64xf32, #tpu.memory_space<hbm>>
        %dma_wait3A_400 = tpu.memref_squeeze %dma_wait3A_399 : memref<1x200x64xf32, #tpu.memory_space<hbm>> -> memref<200x64xf32, #tpu.memory_space<hbm>>
        %dma_wait3A_401 = arith.constant 0 : i32
        %dma_wait3A_402 = arith.constant 0 : i32
        %dma_wait3A_403 = tpu.memref_slice %arg4[%dma_wait3A_396, %dma_wait3A_401, %dma_wait3A_402] : memref<4096x200x64xf32, #tpu.memory_space<hbm>> -> memref<1x200x64xf32, #tpu.memory_space<hbm>>
        %dma_wait3A_404 = tpu.memref_squeeze %dma_wait3A_403 : memref<1x200x64xf32, #tpu.memory_space<hbm>> -> memref<200x64xf32, #tpu.memory_space<hbm>>
        tpu.wait_dma2 semaphore(%arg26 : memref<!tpu.dma_semaphore, #tpu.memory_space<semaphore_mem>>) src(%arg10 : memref<200x64xf32, #tpu.memory_space<vmem>>) dst(%dma_wait3A_404 : memref<200x64xf32, #tpu.memory_space<hbm>>)
      } else {
      }
      %dma_start3A_145 = arith.constant 0 : i32
      %dma_start3A_146 = tpu.memref_slice %arg5[%add3A_139, %dma_start3A_145] : memref<128x200xi32, #tpu.memory_space<vmem>> -> memref<1x200xi32, #tpu.memory_space<vmem>>
      %dma_start3A_147 = tpu.memref_squeeze %dma_start3A_146 : memref<1x200xi32, #tpu.memory_space<vmem>> -> memref<200xi32, #tpu.memory_space<vmem>>
      %dma_start3A_148 = arith.constant 0 : i32
      %dma_start3A_149 = arith.constant 0 : i32
      %dma_start3A_150 = tpu.memref_slice %arg3[%dma_start3A_148, %dma_start3A_149] : memref<1000000x64xf32, #tpu.memory_space<hbm>> -> memref<1000000x64xf32, #tpu.memory_space<hbm>>
      tpu.enqueue_indirect_dma source(%dma_start3A_150 : memref<1000000x64xf32, #tpu.memory_space<hbm>>) target(%arg10 : memref<200x64xf32, #tpu.memory_space<vmem>>) offsets(%dma_start3A_147 : memref<200xi32, #tpu.memory_space<vmem>>) semaphore(%arg18 : memref<!tpu.dma_semaphore, #tpu.memory_space<semaphore_mem>>)
      %mul3A_151 = arith.constant 8 : i32
      %mul3A_152 = arith.muli %scan3A_79, %mul3A_151 : i32
      %add3A_153 = arith.constant 5 : i32
      %add3A_154 = arith.addi %mul3A_152, %add3A_153 : i32
      %gt3A_155 = arith.constant 0 : i32
      %gt3A_156 = arith.cmpi sgt, %scan3A_79, %gt3A_155 : i32
      %convert_element_type3A_157 = arith.extui %gt3A_156 : i1 to i32
      %cond3A_158 = arith.constant 0 : i32
      %cond3A_159 = arith.cmpi ne, %convert_element_type3A_157, %cond3A_158 : i32
      scf.if %cond3A_159 {
        %dma_wait3A_396 = arith.constant 0 : i32
        %dma_wait3A_397 = arith.constant 0 : i32
        %dma_wait3A_398 = arith.constant 0 : i32
        %dma_wait3A_399 = tpu.memref_slice %arg4[%dma_wait3A_396, %dma_wait3A_397, %dma_wait3A_398] : memref<4096x200x64xf32, #tpu.memory_space<hbm>> -> memref<1x200x64xf32, #tpu.memory_space<hbm>>
        %dma_wait3A_400 = tpu.memref_squeeze %dma_wait3A_399 : memref<1x200x64xf32, #tpu.memory_space<hbm>> -> memref<200x64xf32, #tpu.memory_space<hbm>>
        %dma_wait3A_401 = arith.constant 0 : i32
        %dma_wait3A_402 = arith.constant 0 : i32
        %dma_wait3A_403 = tpu.memref_slice %arg4[%dma_wait3A_396, %dma_wait3A_401, %dma_wait3A_402] : memref<4096x200x64xf32, #tpu.memory_space<hbm>> -> memref<1x200x64xf32, #tpu.memory_space<hbm>>
        %dma_wait3A_404 = tpu.memref_squeeze %dma_wait3A_403 : memref<1x200x64xf32, #tpu.memory_space<hbm>> -> memref<200x64xf32, #tpu.memory_space<hbm>>
        tpu.wait_dma2 semaphore(%arg27 : memref<!tpu.dma_semaphore, #tpu.memory_space<semaphore_mem>>) src(%arg11 : memref<200x64xf32, #tpu.memory_space<vmem>>) dst(%dma_wait3A_404 : memref<200x64xf32, #tpu.memory_space<hbm>>)
      } else {
      }
      %dma_start3A_160 = arith.constant 0 : i32
      %dma_start3A_161 = tpu.memref_slice %arg5[%add3A_154, %dma_start3A_160] : memref<128x200xi32, #tpu.memory_space<vmem>> -> memref<1x200xi32, #tpu.memory_space<vmem>>
      %dma_start3A_162 = tpu.memref_squeeze %dma_start3A_161 : memref<1x200xi32, #tpu.memory_space<vmem>> -> memref<200xi32, #tpu.memory_space<vmem>>
      %dma_start3A_163 = arith.constant 0 : i32
      %dma_start3A_164 = arith.constant 0 : i32
      %dma_start3A_165 = tpu.memref_slice %arg3[%dma_start3A_163, %dma_start3A_164] : memref<1000000x64xf32, #tpu.memory_space<hbm>> -> memref<1000000x64xf32, #tpu.memory_space<hbm>>
      tpu.enqueue_indirect_dma source(%dma_start3A_165 : memref<1000000x64xf32, #tpu.memory_space<hbm>>) target(%arg11 : memref<200x64xf32, #tpu.memory_space<vmem>>) offsets(%dma_start3A_162 : memref<200xi32, #tpu.memory_space<vmem>>) semaphore(%arg19 : memref<!tpu.dma_semaphore, #tpu.memory_space<semaphore_mem>>)
      %mul3A_166 = arith.constant 8 : i32
      %mul3A_167 = arith.muli %scan3A_79, %mul3A_166 : i32
      %add3A_168 = arith.constant 6 : i32
      %add3A_169 = arith.addi %mul3A_167, %add3A_168 : i32
      %gt3A_170 = arith.constant 0 : i32
      %gt3A_171 = arith.cmpi sgt, %scan3A_79, %gt3A_170 : i32
      %convert_element_type3A_172 = arith.extui %gt3A_171 : i1 to i32
      %cond3A_173 = arith.constant 0 : i32
      %cond3A_174 = arith.cmpi ne, %convert_element_type3A_172, %cond3A_173 : i32
      scf.if %cond3A_174 {
        %dma_wait3A_396 = arith.constant 0 : i32
        %dma_wait3A_397 = arith.constant 0 : i32
        %dma_wait3A_398 = arith.constant 0 : i32
        %dma_wait3A_399 = tpu.memref_slice %arg4[%dma_wait3A_396, %dma_wait3A_397, %dma_wait3A_398] : memref<4096x200x64xf32, #tpu.memory_space<hbm>> -> memref<1x200x64xf32, #tpu.memory_space<hbm>>
        %dma_wait3A_400 = tpu.memref_squeeze %dma_wait3A_399 : memref<1x200x64xf32, #tpu.memory_space<hbm>> -> memref<200x64xf32, #tpu.memory_space<hbm>>
        %dma_wait3A_401 = arith.constant 0 : i32
        %dma_wait3A_402 = arith.constant 0 : i32
        %dma_wait3A_403 = tpu.memref_slice %arg4[%dma_wait3A_396, %dma_wait3A_401, %dma_wait3A_402] : memref<4096x200x64xf32, #tpu.memory_space<hbm>> -> memref<1x200x64xf32, #tpu.memory_space<hbm>>
        %dma_wait3A_404 = tpu.memref_squeeze %dma_wait3A_403 : memref<1x200x64xf32, #tpu.memory_space<hbm>> -> memref<200x64xf32, #tpu.memory_space<hbm>>
        tpu.wait_dma2 semaphore(%arg28 : memref<!tpu.dma_semaphore, #tpu.memory_space<semaphore_mem>>) src(%arg12 : memref<200x64xf32, #tpu.memory_space<vmem>>) dst(%dma_wait3A_404 : memref<200x64xf32, #tpu.memory_space<hbm>>)
      } else {
      }
      %dma_start3A_175 = arith.constant 0 : i32
      %dma_start3A_176 = tpu.memref_slice %arg5[%add3A_169, %dma_start3A_175] : memref<128x200xi32, #tpu.memory_space<vmem>> -> memref<1x200xi32, #tpu.memory_space<vmem>>
      %dma_start3A_177 = tpu.memref_squeeze %dma_start3A_176 : memref<1x200xi32, #tpu.memory_space<vmem>> -> memref<200xi32, #tpu.memory_space<vmem>>
      %dma_start3A_178 = arith.constant 0 : i32
      %dma_start3A_179 = arith.constant 0 : i32
      %dma_start3A_180 = tpu.memref_slice %arg3[%dma_start3A_178, %dma_start3A_179] : memref<1000000x64xf32, #tpu.memory_space<hbm>> -> memref<1000000x64xf32, #tpu.memory_space<hbm>>
      tpu.enqueue_indirect_dma source(%dma_start3A_180 : memref<1000000x64xf32, #tpu.memory_space<hbm>>) target(%arg12 : memref<200x64xf32, #tpu.memory_space<vmem>>) offsets(%dma_start3A_177 : memref<200xi32, #tpu.memory_space<vmem>>) semaphore(%arg20 : memref<!tpu.dma_semaphore, #tpu.memory_space<semaphore_mem>>)
      %mul3A_181 = arith.constant 8 : i32
      %mul3A_182 = arith.muli %scan3A_79, %mul3A_181 : i32
      %add3A_183 = arith.constant 7 : i32
      %add3A_184 = arith.addi %mul3A_182, %add3A_183 : i32
      %gt3A_185 = arith.constant 0 : i32
      %gt3A_186 = arith.cmpi sgt, %scan3A_79, %gt3A_185 : i32
      %convert_element_type3A_187 = arith.extui %gt3A_186 : i1 to i32
      %cond3A_188 = arith.constant 0 : i32
      %cond3A_189 = arith.cmpi ne, %convert_element_type3A_187, %cond3A_188 : i32
      scf.if %cond3A_189 {
        %dma_wait3A_396 = arith.constant 0 : i32
        %dma_wait3A_397 = arith.constant 0 : i32
        %dma_wait3A_398 = arith.constant 0 : i32
        %dma_wait3A_399 = tpu.memref_slice %arg4[%dma_wait3A_396, %dma_wait3A_397, %dma_wait3A_398] : memref<4096x200x64xf32, #tpu.memory_space<hbm>> -> memref<1x200x64xf32, #tpu.memory_space<hbm>>
        %dma_wait3A_400 = tpu.memref_squeeze %dma_wait3A_399 : memref<1x200x64xf32, #tpu.memory_space<hbm>> -> memref<200x64xf32, #tpu.memory_space<hbm>>
        %dma_wait3A_401 = arith.constant 0 : i32
        %dma_wait3A_402 = arith.constant 0 : i32
        %dma_wait3A_403 = tpu.memref_slice %arg4[%dma_wait3A_396, %dma_wait3A_401, %dma_wait3A_402] : memref<4096x200x64xf32, #tpu.memory_space<hbm>> -> memref<1x200x64xf32, #tpu.memory_space<hbm>>
        %dma_wait3A_404 = tpu.memref_squeeze %dma_wait3A_403 : memref<1x200x64xf32, #tpu.memory_space<hbm>> -> memref<200x64xf32, #tpu.memory_space<hbm>>
        tpu.wait_dma2 semaphore(%arg29 : memref<!tpu.dma_semaphore, #tpu.memory_space<semaphore_mem>>) src(%arg13 : memref<200x64xf32, #tpu.memory_space<vmem>>) dst(%dma_wait3A_404 : memref<200x64xf32, #tpu.memory_space<hbm>>)
      } else {
      }
      %dma_start3A_190 = arith.constant 0 : i32
      %dma_start3A_191 = tpu.memref_slice %arg5[%add3A_184, %dma_start3A_190] : memref<128x200xi32, #tpu.memory_space<vmem>> -> memref<1x200xi32, #tpu.memory_space<vmem>>
      %dma_start3A_192 = tpu.memref_squeeze %dma_start3A_191 : memref<1x200xi32, #tpu.memory_space<vmem>> -> memref<200xi32, #tpu.memory_space<vmem>>
      %dma_start3A_193 = arith.constant 0 : i32
      %dma_start3A_194 = arith.constant 0 : i32
      %dma_start3A_195 = tpu.memref_slice %arg3[%dma_start3A_193, %dma_start3A_194] : memref<1000000x64xf32, #tpu.memory_space<hbm>> -> memref<1000000x64xf32, #tpu.memory_space<hbm>>
      tpu.enqueue_indirect_dma source(%dma_start3A_195 : memref<1000000x64xf32, #tpu.memory_space<hbm>>) target(%arg13 : memref<200x64xf32, #tpu.memory_space<vmem>>) offsets(%dma_start3A_192 : memref<200xi32, #tpu.memory_space<vmem>>) semaphore(%arg21 : memref<!tpu.dma_semaphore, #tpu.memory_space<semaphore_mem>>)
      %mul3A_196 = arith.constant 8 : i32
      %mul3A_197 = arith.muli %scan3A_79, %mul3A_196 : i32
      %add3A_198 = arith.constant 0 : i32
      %add3A_199 = arith.addi %mul3A_197, %add3A_198 : i32
      %dma_wait3A_200 = arith.constant 0 : i32
      %dma_wait3A_201 = tpu.memref_slice %arg5[%add3A_199, %dma_wait3A_200] : memref<128x200xi32, #tpu.memory_space<vmem>> -> memref<1x200xi32, #tpu.memory_space<vmem>>
      %dma_wait3A_202 = tpu.memref_squeeze %dma_wait3A_201 : memref<1x200xi32, #tpu.memory_space<vmem>> -> memref<200xi32, #tpu.memory_space<vmem>>
      %dma_wait3A_203 = arith.constant 0 : i32
      %dma_wait3A_204 = arith.constant 0 : i32
      %dma_wait3A_205 = tpu.memref_slice %arg3[%dma_wait3A_203, %dma_wait3A_204] : memref<1000000x64xf32, #tpu.memory_space<hbm>> -> memref<1000000x64xf32, #tpu.memory_space<hbm>>
      tpu.wait_indirect_dma semaphore(%arg14 : memref<!tpu.dma_semaphore, #tpu.memory_space<semaphore_mem>>) src(%dma_wait3A_205 : memref<1000000x64xf32, #tpu.memory_space<hbm>>) dst(%arg6 : memref<200x64xf32, #tpu.memory_space<vmem>>)
      %scan3A_206 = arith.constant 0 : i32
      %scan3A_207 = arith.constant 0 : i32
      %scan3A_208 = arith.constant 200 : i32
      %scan3A_209 = arith.addi %scan3A_207, %scan3A_208 : i32
      %scan3A_210 = arith.constant 1 : i32
      scf.for %scan3A_396 = %scan3A_207 to %scan3A_209 step %scan3A_210  : i32 {
        %get3A = arith.index_cast %scan3A_396 : i32 to index
        %get3A_397 = arith.constant 0 : index
        %get3A_398 = tpu.vector_load %arg6[%get3A, %get3A_397] {strides = array<i32>} : memref<200x64xf32, #tpu.memory_space<vmem>>, vector<1x16xf32>,
        %get3A_399 = vector.shape_cast %get3A_398 : vector<1x16xf32> to vector<16xf32>
        %mul3A_400 = arith.constant 8.000000e+00 : f32
        %mul3A_401 = vector.broadcast %mul3A_400 : f32 to vector<16xf32>
        %mul3A_402 = arith.mulf %get3A_399, %mul3A_401 : vector<16xf32>
        %swap3A = arith.index_cast %scan3A_396 : i32 to index
        %swap3A_403 = arith.constant 0 : index
        %swap3A_404 = tpu.vector_load %arg6[%swap3A, %swap3A_403] {strides = array<i32>} : memref<200x64xf32, #tpu.memory_space<vmem>>, vector<1x16xf32>,
        %swap3A_405 = vector.shape_cast %swap3A_404 : vector<1x16xf32> to vector<16xf32>
        %swap3A_406 = vector.shape_cast %mul3A_402 : vector<16xf32> to vector<1x16xf32>
        tpu.vector_store %arg6[%swap3A, %swap3A_403], %swap3A_406 {strides = array<i32>} : memref<200x64xf32, #tpu.memory_space<vmem>>, vector<1x16xf32>,
        %get3A_407 = arith.index_cast %scan3A_396 : i32 to index
        %get3A_408 = arith.constant 16 : index
        %get3A_409 = tpu.vector_load %arg6[%get3A_407, %get3A_408] {strides = array<i32>} : memref<200x64xf32, #tpu.memory_space<vmem>>, vector<1x16xf32>,
        %get3A_410 = vector.shape_cast %get3A_409 : vector<1x16xf32> to vector<16xf32>
        %mul3A_411 = arith.constant 8.000000e+00 : f32
        %mul3A_412 = vector.broadcast %mul3A_411 : f32 to vector<16xf32>
        %mul3A_413 = arith.mulf %get3A_410, %mul3A_412 : vector<16xf32>
        %swap3A_414 = arith.index_cast %scan3A_396 : i32 to index
        %swap3A_415 = arith.constant 16 : index
        %swap3A_416 = tpu.vector_load %arg6[%swap3A_414, %swap3A_415] {strides = array<i32>} : memref<200x64xf32, #tpu.memory_space<vmem>>, vector<1x16xf32>,
        %swap3A_417 = vector.shape_cast %swap3A_416 : vector<1x16xf32> to vector<16xf32>
        %swap3A_418 = vector.shape_cast %mul3A_413 : vector<16xf32> to vector<1x16xf32>
        tpu.vector_store %arg6[%swap3A_414, %swap3A_415], %swap3A_418 {strides = array<i32>} : memref<200x64xf32, #tpu.memory_space<vmem>>, vector<1x16xf32>,
        %get3A_419 = arith.index_cast %scan3A_396 : i32 to index
        %get3A_420 = arith.constant 32 : index
        %get3A_421 = tpu.vector_load %arg6[%get3A_419, %get3A_420] {strides = array<i32>} : memref<200x64xf32, #tpu.memory_space<vmem>>, vector<1x16xf32>,
        %get3A_422 = vector.shape_cast %get3A_421 : vector<1x16xf32> to vector<16xf32>
        %mul3A_423 = arith.constant 8.000000e+00 : f32
        %mul3A_424 = vector.broadcast %mul3A_423 : f32 to vector<16xf32>
        %mul3A_425 = arith.mulf %get3A_422, %mul3A_424 : vector<16xf32>
        %swap3A_426 = arith.index_cast %scan3A_396 : i32 to index
        %swap3A_427 = arith.constant 32 : index
        %swap3A_428 = tpu.vector_load %arg6[%swap3A_426, %swap3A_427] {strides = array<i32>} : memref<200x64xf32, #tpu.memory_space<vmem>>, vector<1x16xf32>,
        %swap3A_429 = vector.shape_cast %swap3A_428 : vector<1x16xf32> to vector<16xf32>
        %swap3A_430 = vector.shape_cast %mul3A_425 : vector<16xf32> to vector<1x16xf32>
        tpu.vector_store %arg6[%swap3A_426, %swap3A_427], %swap3A_430 {strides = array<i32>} : memref<200x64xf32, #tpu.memory_space<vmem>>, vector<1x16xf32>,
        %get3A_431 = arith.index_cast %scan3A_396 : i32 to index
        %get3A_432 = arith.constant 48 : index
        %get3A_433 = tpu.vector_load %arg6[%get3A_431, %get3A_432] {strides = array<i32>} : memref<200x64xf32, #tpu.memory_space<vmem>>, vector<1x16xf32>,
        %get3A_434 = vector.shape_cast %get3A_433 : vector<1x16xf32> to vector<16xf32>
        %mul3A_435 = arith.constant 8.000000e+00 : f32
        %mul3A_436 = vector.broadcast %mul3A_435 : f32 to vector<16xf32>
        %mul3A_437 = arith.mulf %get3A_434, %mul3A_436 : vector<16xf32>
        %swap3A_438 = arith.index_cast %scan3A_396 : i32 to index
        %swap3A_439 = arith.constant 48 : index
        %swap3A_440 = tpu.vector_load %arg6[%swap3A_438, %swap3A_439] {strides = array<i32>} : memref<200x64xf32, #tpu.memory_space<vmem>>, vector<1x16xf32>,
        %swap3A_441 = vector.shape_cast %swap3A_440 : vector<1x16xf32> to vector<16xf32>
        %swap3A_442 = vector.shape_cast %mul3A_437 : vector<16xf32> to vector<1x16xf32>
        tpu.vector_store %arg6[%swap3A_438, %swap3A_439], %swap3A_442 {strides = array<i32>} : memref<200x64xf32, #tpu.memory_space<vmem>>, vector<1x16xf32>,
      }
      %scan3A_211 = arith.constant 200 : i32
      %add3A_212 = arith.addi %mul3A_2, %add3A_199 : i32
      %dma_start3A_213 = arith.constant 0 : i32
      %dma_start3A_214 = arith.constant 0 : i32
      %dma_start3A_215 = tpu.memref_slice %arg4[%add3A_212, %dma_start3A_213, %dma_start3A_214] : memref<4096x200x64xf32, #tpu.memory_space<hbm>> -> memref<1x200x64xf32, #tpu.memory_space<hbm>>
      %dma_start3A_216 = tpu.memref_squeeze %dma_start3A_215 : memref<1x200x64xf32, #tpu.memory_space<hbm>> -> memref<200x64xf32, #tpu.memory_space<hbm>>
      %dma_start3A_217 = arith.constant 0 : i32
      %dma_start3A_218 = arith.constant 0 : i32
      %dma_start3A_219 = tpu.memref_slice %arg4[%add3A_212, %dma_start3A_217, %dma_start3A_218] : memref<4096x200x64xf32, #tpu.memory_space<hbm>> -> memref<1x200x64xf32, #tpu.memory_space<hbm>>
      %dma_start3A_220 = tpu.memref_squeeze %dma_start3A_219 : memref<1x200x64xf32, #tpu.memory_space<hbm>> -> memref<200x64xf32, #tpu.memory_space<hbm>>
      tpu.enqueue_dma source(%arg6 : memref<200x64xf32, #tpu.memory_space<vmem>>) target(%dma_start3A_220 : memref<200x64xf32, #tpu.memory_space<hbm>>) target_semaphore(%arg22 : memref<!tpu.dma_semaphore, #tpu.memory_space<semaphore_mem>>)
      %mul3A_221 = arith.constant 8 : i32
      %mul3A_222 = arith.muli %scan3A_79, %mul3A_221 : i32
      %add3A_223 = arith.constant 1 : i32
      %add3A_224 = arith.addi %mul3A_222, %add3A_223 : i32
      %dma_wait3A_225 = arith.constant 0 : i32
      %dma_wait3A_226 = tpu.memref_slice %arg5[%add3A_224, %dma_wait3A_225] : memref<128x200xi32, #tpu.memory_space<vmem>> -> memref<1x200xi32, #tpu.memory_space<vmem>>
      %dma_wait3A_227 = tpu.memref_squeeze %dma_wait3A_226 : memref<1x200xi32, #tpu.memory_space<vmem>> -> memref<200xi32, #tpu.memory_space<vmem>>
      %dma_wait3A_228 = arith.constant 0 : i32
      %dma_wait3A_229 = arith.constant 0 : i32
      %dma_wait3A_230 = tpu.memref_slice %arg3[%dma_wait3A_228, %dma_wait3A_229] : memref<1000000x64xf32, #tpu.memory_space<hbm>> -> memref<1000000x64xf32, #tpu.memory_space<hbm>>
      tpu.wait_indirect_dma semaphore(%arg15 : memref<!tpu.dma_semaphore, #tpu.memory_space<semaphore_mem>>) src(%dma_wait3A_230 : memref<1000000x64xf32, #tpu.memory_space<hbm>>) dst(%arg7 : memref<200x64xf32, #tpu.memory_space<vmem>>)
      %scan3A_231 = arith.constant 0 : i32
      %scan3A_232 = arith.constant 0 : i32
      %scan3A_233 = arith.constant 200 : i32
      %scan3A_234 = arith.addi %scan3A_232, %scan3A_233 : i32
      %scan3A_235 = arith.constant 1 : i32
      scf.for %scan3A_396 = %scan3A_232 to %scan3A_234 step %scan3A_235  : i32 {
        %get3A = arith.index_cast %scan3A_396 : i32 to index
        %get3A_397 = arith.constant 0 : index
        %get3A_398 = tpu.vector_load %arg7[%get3A, %get3A_397] {strides = array<i32>} : memref<200x64xf32, #tpu.memory_space<vmem>>, vector<1x16xf32>,
        %get3A_399 = vector.shape_cast %get3A_398 : vector<1x16xf32> to vector<16xf32>
        %mul3A_400 = arith.constant 8.000000e+00 : f32
        %mul3A_401 = vector.broadcast %mul3A_400 : f32 to vector<16xf32>
        %mul3A_402 = arith.mulf %get3A_399, %mul3A_401 : vector<16xf32>
        %swap3A = arith.index_cast %scan3A_396 : i32 to index
        %swap3A_403 = arith.constant 0 : index
        %swap3A_404 = tpu.vector_load %arg7[%swap3A, %swap3A_403] {strides = array<i32>} : memref<200x64xf32, #tpu.memory_space<vmem>>, vector<1x16xf32>,
        %swap3A_405 = vector.shape_cast %swap3A_404 : vector<1x16xf32> to vector<16xf32>
        %swap3A_406 = vector.shape_cast %mul3A_402 : vector<16xf32> to vector<1x16xf32>
        tpu.vector_store %arg7[%swap3A, %swap3A_403], %swap3A_406 {strides = array<i32>} : memref<200x64xf32, #tpu.memory_space<vmem>>, vector<1x16xf32>,
        %get3A_407 = arith.index_cast %scan3A_396 : i32 to index
        %get3A_408 = arith.constant 16 : index
        %get3A_409 = tpu.vector_load %arg7[%get3A_407, %get3A_408] {strides = array<i32>} : memref<200x64xf32, #tpu.memory_space<vmem>>, vector<1x16xf32>,
        %get3A_410 = vector.shape_cast %get3A_409 : vector<1x16xf32> to vector<16xf32>
        %mul3A_411 = arith.constant 8.000000e+00 : f32
        %mul3A_412 = vector.broadcast %mul3A_411 : f32 to vector<16xf32>
        %mul3A_413 = arith.mulf %get3A_410, %mul3A_412 : vector<16xf32>
        %swap3A_414 = arith.index_cast %scan3A_396 : i32 to index
        %swap3A_415 = arith.constant 16 : index
        %swap3A_416 = tpu.vector_load %arg7[%swap3A_414, %swap3A_415] {strides = array<i32>} : memref<200x64xf32, #tpu.memory_space<vmem>>, vector<1x16xf32>,
        %swap3A_417 = vector.shape_cast %swap3A_416 : vector<1x16xf32> to vector<16xf32>
        %swap3A_418 = vector.shape_cast %mul3A_413 : vector<16xf32> to vector<1x16xf32>
        tpu.vector_store %arg7[%swap3A_414, %swap3A_415], %swap3A_418 {strides = array<i32>} : memref<200x64xf32, #tpu.memory_space<vmem>>, vector<1x16xf32>,
        %get3A_419 = arith.index_cast %scan3A_396 : i32 to index
        %get3A_420 = arith.constant 32 : index
        %get3A_421 = tpu.vector_load %arg7[%get3A_419, %get3A_420] {strides = array<i32>} : memref<200x64xf32, #tpu.memory_space<vmem>>, vector<1x16xf32>,
        %get3A_422 = vector.shape_cast %get3A_421 : vector<1x16xf32> to vector<16xf32>
        %mul3A_423 = arith.constant 8.000000e+00 : f32
        %mul3A_424 = vector.broadcast %mul3A_423 : f32 to vector<16xf32>
        %mul3A_425 = arith.mulf %get3A_422, %mul3A_424 : vector<16xf32>
        %swap3A_426 = arith.index_cast %scan3A_396 : i32 to index
        %swap3A_427 = arith.constant 32 : index
        %swap3A_428 = tpu.vector_load %arg7[%swap3A_426, %swap3A_427] {strides = array<i32>} : memref<200x64xf32, #tpu.memory_space<vmem>>, vector<1x16xf32>,
        %swap3A_429 = vector.shape_cast %swap3A_428 : vector<1x16xf32> to vector<16xf32>
        %swap3A_430 = vector.shape_cast %mul3A_425 : vector<16xf32> to vector<1x16xf32>
        tpu.vector_store %arg7[%swap3A_426, %swap3A_427], %swap3A_430 {strides = array<i32>} : memref<200x64xf32, #tpu.memory_space<vmem>>, vector<1x16xf32>,
        %get3A_431 = arith.index_cast %scan3A_396 : i32 to index
        %get3A_432 = arith.constant 48 : index
        %get3A_433 = tpu.vector_load %arg7[%get3A_431, %get3A_432] {strides = array<i32>} : memref<200x64xf32, #tpu.memory_space<vmem>>, vector<1x16xf32>,
        %get3A_434 = vector.shape_cast %get3A_433 : vector<1x16xf32> to vector<16xf32>
        %mul3A_435 = arith.constant 8.000000e+00 : f32
        %mul3A_436 = vector.broadcast %mul3A_435 : f32 to vector<16xf32>
        %mul3A_437 = arith.mulf %get3A_434, %mul3A_436 : vector<16xf32>
        %swap3A_438 = arith.index_cast %scan3A_396 : i32 to index
        %swap3A_439 = arith.constant 48 : index
        %swap3A_440 = tpu.vector_load %arg7[%swap3A_438, %swap3A_439] {strides = array<i32>} : memref<200x64xf32, #tpu.memory_space<vmem>>, vector<1x16xf32>,
        %swap3A_441 = vector.shape_cast %swap3A_440 : vector<1x16xf32> to vector<16xf32>
        %swap3A_442 = vector.shape_cast %mul3A_437 : vector<16xf32> to vector<1x16xf32>
        tpu.vector_store %arg7[%swap3A_438, %swap3A_439], %swap3A_442 {strides = array<i32>} : memref<200x64xf32, #tpu.memory_space<vmem>>, vector<1x16xf32>,
      }
      %scan3A_236 = arith.constant 200 : i32
      %add3A_237 = arith.addi %mul3A_2, %add3A_224 : i32
      %dma_start3A_238 = arith.constant 0 : i32
      %dma_start3A_239 = arith.constant 0 : i32
      %dma_start3A_240 = tpu.memref_slice %arg4[%add3A_237, %dma_start3A_238, %dma_start3A_239] : memref<4096x200x64xf32, #tpu.memory_space<hbm>> -> memref<1x200x64xf32, #tpu.memory_space<hbm>>
      %dma_start3A_241 = tpu.memref_squeeze %dma_start3A_240 : memref<1x200x64xf32, #tpu.memory_space<hbm>> -> memref<200x64xf32, #tpu.memory_space<hbm>>
      %dma_start3A_242 = arith.constant 0 : i32
      %dma_start3A_243 = arith.constant 0 : i32
      %dma_start3A_244 = tpu.memref_slice %arg4[%add3A_237, %dma_start3A_242, %dma_start3A_243] : memref<4096x200x64xf32, #tpu.memory_space<hbm>> -> memref<1x200x64xf32, #tpu.memory_space<hbm>>
      %dma_start3A_245 = tpu.memref_squeeze %dma_start3A_244 : memref<1x200x64xf32, #tpu.memory_space<hbm>> -> memref<200x64xf32, #tpu.memory_space<hbm>>
      tpu.enqueue_dma source(%arg7 : memref<200x64xf32, #tpu.memory_space<vmem>>) target(%dma_start3A_245 : memref<200x64xf32, #tpu.memory_space<hbm>>) target_semaphore(%arg23 : memref<!tpu.dma_semaphore, #tpu.memory_space<semaphore_mem>>)
      %mul3A_246 = arith.constant 8 : i32
      %mul3A_247 = arith.muli %scan3A_79, %mul3A_246 : i32
      %add3A_248 = arith.constant 2 : i32
      %add3A_249 = arith.addi %mul3A_247, %add3A_248 : i32
      %dma_wait3A_250 = arith.constant 0 : i32
      %dma_wait3A_251 = tpu.memref_slice %arg5[%add3A_249, %dma_wait3A_250] : memref<128x200xi32, #tpu.memory_space<vmem>> -> memref<1x200xi32, #tpu.memory_space<vmem>>
      %dma_wait3A_252 = tpu.memref_squeeze %dma_wait3A_251 : memref<1x200xi32, #tpu.memory_space<vmem>> -> memref<200xi32, #tpu.memory_space<vmem>>
      %dma_wait3A_253 = arith.constant 0 : i32
      %dma_wait3A_254 = arith.constant 0 : i32
      %dma_wait3A_255 = tpu.memref_slice %arg3[%dma_wait3A_253, %dma_wait3A_254] : memref<1000000x64xf32, #tpu.memory_space<hbm>> -> memref<1000000x64xf32, #tpu.memory_space<hbm>>
      tpu.wait_indirect_dma semaphore(%arg16 : memref<!tpu.dma_semaphore, #tpu.memory_space<semaphore_mem>>) src(%dma_wait3A_255 : memref<1000000x64xf32, #tpu.memory_space<hbm>>) dst(%arg8 : memref<200x64xf32, #tpu.memory_space<vmem>>)
      %scan3A_256 = arith.constant 0 : i32
      %scan3A_257 = arith.constant 0 : i32
      %scan3A_258 = arith.constant 200 : i32
      %scan3A_259 = arith.addi %scan3A_257, %scan3A_258 : i32
      %scan3A_260 = arith.constant 1 : i32
      scf.for %scan3A_396 = %scan3A_257 to %scan3A_259 step %scan3A_260  : i32 {
        %get3A = arith.index_cast %scan3A_396 : i32 to index
        %get3A_397 = arith.constant 0 : index
        %get3A_398 = tpu.vector_load %arg8[%get3A, %get3A_397] {strides = array<i32>} : memref<200x64xf32, #tpu.memory_space<vmem>>, vector<1x16xf32>,
        %get3A_399 = vector.shape_cast %get3A_398 : vector<1x16xf32> to vector<16xf32>
        %mul3A_400 = arith.constant 8.000000e+00 : f32
        %mul3A_401 = vector.broadcast %mul3A_400 : f32 to vector<16xf32>
        %mul3A_402 = arith.mulf %get3A_399, %mul3A_401 : vector<16xf32>
        %swap3A = arith.index_cast %scan3A_396 : i32 to index
        %swap3A_403 = arith.constant 0 : index
        %swap3A_404 = tpu.vector_load %arg8[%swap3A, %swap3A_403] {strides = array<i32>} : memref<200x64xf32, #tpu.memory_space<vmem>>, vector<1x16xf32>,
        %swap3A_405 = vector.shape_cast %swap3A_404 : vector<1x16xf32> to vector<16xf32>
        %swap3A_406 = vector.shape_cast %mul3A_402 : vector<16xf32> to vector<1x16xf32>
        tpu.vector_store %arg8[%swap3A, %swap3A_403], %swap3A_406 {strides = array<i32>} : memref<200x64xf32, #tpu.memory_space<vmem>>, vector<1x16xf32>,
        %get3A_407 = arith.index_cast %scan3A_396 : i32 to index
        %get3A_408 = arith.constant 16 : index
        %get3A_409 = tpu.vector_load %arg8[%get3A_407, %get3A_408] {strides = array<i32>} : memref<200x64xf32, #tpu.memory_space<vmem>>, vector<1x16xf32>,
        %get3A_410 = vector.shape_cast %get3A_409 : vector<1x16xf32> to vector<16xf32>
        %mul3A_411 = arith.constant 8.000000e+00 : f32
        %mul3A_412 = vector.broadcast %mul3A_411 : f32 to vector<16xf32>
        %mul3A_413 = arith.mulf %get3A_410, %mul3A_412 : vector<16xf32>
        %swap3A_414 = arith.index_cast %scan3A_396 : i32 to index
        %swap3A_415 = arith.constant 16 : index
        %swap3A_416 = tpu.vector_load %arg8[%swap3A_414, %swap3A_415] {strides = array<i32>} : memref<200x64xf32, #tpu.memory_space<vmem>>, vector<1x16xf32>,
        %swap3A_417 = vector.shape_cast %swap3A_416 : vector<1x16xf32> to vector<16xf32>
        %swap3A_418 = vector.shape_cast %mul3A_413 : vector<16xf32> to vector<1x16xf32>
        tpu.vector_store %arg8[%swap3A_414, %swap3A_415], %swap3A_418 {strides = array<i32>} : memref<200x64xf32, #tpu.memory_space<vmem>>, vector<1x16xf32>,
        %get3A_419 = arith.index_cast %scan3A_396 : i32 to index
        %get3A_420 = arith.constant 32 : index
        %get3A_421 = tpu.vector_load %arg8[%get3A_419, %get3A_420] {strides = array<i32>} : memref<200x64xf32, #tpu.memory_space<vmem>>, vector<1x16xf32>,
        %get3A_422 = vector.shape_cast %get3A_421 : vector<1x16xf32> to vector<16xf32>
        %mul3A_423 = arith.constant 8.000000e+00 : f32
        %mul3A_424 = vector.broadcast %mul3A_423 : f32 to vector<16xf32>
        %mul3A_425 = arith.mulf %get3A_422, %mul3A_424 : vector<16xf32>
        %swap3A_426 = arith.index_cast %scan3A_396 : i32 to index
        %swap3A_427 = arith.constant 32 : index
        %swap3A_428 = tpu.vector_load %arg8[%swap3A_426, %swap3A_427] {strides = array<i32>} : memref<200x64xf32, #tpu.memory_space<vmem>>, vector<1x16xf32>,
        %swap3A_429 = vector.shape_cast %swap3A_428 : vector<1x16xf32> to vector<16xf32>
        %swap3A_430 = vector.shape_cast %mul3A_425 : vector<16xf32> to vector<1x16xf32>
        tpu.vector_store %arg8[%swap3A_426, %swap3A_427], %swap3A_430 {strides = array<i32>} : memref<200x64xf32, #tpu.memory_space<vmem>>, vector<1x16xf32>,
        %get3A_431 = arith.index_cast %scan3A_396 : i32 to index
        %get3A_432 = arith.constant 48 : index
        %get3A_433 = tpu.vector_load %arg8[%get3A_431, %get3A_432] {strides = array<i32>} : memref<200x64xf32, #tpu.memory_space<vmem>>, vector<1x16xf32>,
        %get3A_434 = vector.shape_cast %get3A_433 : vector<1x16xf32> to vector<16xf32>
        %mul3A_435 = arith.constant 8.000000e+00 : f32
        %mul3A_436 = vector.broadcast %mul3A_435 : f32 to vector<16xf32>
        %mul3A_437 = arith.mulf %get3A_434, %mul3A_436 : vector<16xf32>
        %swap3A_438 = arith.index_cast %scan3A_396 : i32 to index
        %swap3A_439 = arith.constant 48 : index
        %swap3A_440 = tpu.vector_load %arg8[%swap3A_438, %swap3A_439] {strides = array<i32>} : memref<200x64xf32, #tpu.memory_space<vmem>>, vector<1x16xf32>,
        %swap3A_441 = vector.shape_cast %swap3A_440 : vector<1x16xf32> to vector<16xf32>
        %swap3A_442 = vector.shape_cast %mul3A_437 : vector<16xf32> to vector<1x16xf32>
        tpu.vector_store %arg8[%swap3A_438, %swap3A_439], %swap3A_442 {strides = array<i32>} : memref<200x64xf32, #tpu.memory_space<vmem>>, vector<1x16xf32>,
      }
      %scan3A_261 = arith.constant 200 : i32
      %add3A_262 = arith.addi %mul3A_2, %add3A_249 : i32
      %dma_start3A_263 = arith.constant 0 : i32
      %dma_start3A_264 = arith.constant 0 : i32
      %dma_start3A_265 = tpu.memref_slice %arg4[%add3A_262, %dma_start3A_263, %dma_start3A_264] : memref<4096x200x64xf32, #tpu.memory_space<hbm>> -> memref<1x200x64xf32, #tpu.memory_space<hbm>>
      %dma_start3A_266 = tpu.memref_squeeze %dma_start3A_265 : memref<1x200x64xf32, #tpu.memory_space<hbm>> -> memref<200x64xf32, #tpu.memory_space<hbm>>
      %dma_start3A_267 = arith.constant 0 : i32
      %dma_start3A_268 = arith.constant 0 : i32
      %dma_start3A_269 = tpu.memref_slice %arg4[%add3A_262, %dma_start3A_267, %dma_start3A_268] : memref<4096x200x64xf32, #tpu.memory_space<hbm>> -> memref<1x200x64xf32, #tpu.memory_space<hbm>>
      %dma_start3A_270 = tpu.memref_squeeze %dma_start3A_269 : memref<1x200x64xf32, #tpu.memory_space<hbm>> -> memref<200x64xf32, #tpu.memory_space<hbm>>
      tpu.enqueue_dma source(%arg8 : memref<200x64xf32, #tpu.memory_space<vmem>>) target(%dma_start3A_270 : memref<200x64xf32, #tpu.memory_space<hbm>>) target_semaphore(%arg24 : memref<!tpu.dma_semaphore, #tpu.memory_space<semaphore_mem>>)
      %mul3A_271 = arith.constant 8 : i32
      %mul3A_272 = arith.muli %scan3A_79, %mul3A_271 : i32
      %add3A_273 = arith.constant 3 : i32
      %add3A_274 = arith.addi %mul3A_272, %add3A_273 : i32
      %dma_wait3A_275 = arith.constant 0 : i32
      %dma_wait3A_276 = tpu.memref_slice %arg5[%add3A_274, %dma_wait3A_275] : memref<128x200xi32, #tpu.memory_space<vmem>> -> memref<1x200xi32, #tpu.memory_space<vmem>>
      %dma_wait3A_277 = tpu.memref_squeeze %dma_wait3A_276 : memref<1x200xi32, #tpu.memory_space<vmem>> -> memref<200xi32, #tpu.memory_space<vmem>>
      %dma_wait3A_278 = arith.constant 0 : i32
      %dma_wait3A_279 = arith.constant 0 : i32
      %dma_wait3A_280 = tpu.memref_slice %arg3[%dma_wait3A_278, %dma_wait3A_279] : memref<1000000x64xf32, #tpu.memory_space<hbm>> -> memref<1000000x64xf32, #tpu.memory_space<hbm>>
      tpu.wait_indirect_dma semaphore(%arg17 : memref<!tpu.dma_semaphore, #tpu.memory_space<semaphore_mem>>) src(%dma_wait3A_280 : memref<1000000x64xf32, #tpu.memory_space<hbm>>) dst(%arg9 : memref<200x64xf32, #tpu.memory_space<vmem>>)
      %scan3A_281 = arith.constant 0 : i32
      %scan3A_282 = arith.constant 0 : i32
      %scan3A_283 = arith.constant 200 : i32
      %scan3A_284 = arith.addi %scan3A_282, %scan3A_283 : i32
      %scan3A_285 = arith.constant 1 : i32
      scf.for %scan3A_396 = %scan3A_282 to %scan3A_284 step %scan3A_285  : i32 {
        %get3A = arith.index_cast %scan3A_396 : i32 to index
        %get3A_397 = arith.constant 0 : index
        %get3A_398 = tpu.vector_load %arg9[%get3A, %get3A_397] {strides = array<i32>} : memref<200x64xf32, #tpu.memory_space<vmem>>, vector<1x16xf32>,
        %get3A_399 = vector.shape_cast %get3A_398 : vector<1x16xf32> to vector<16xf32>
        %mul3A_400 = arith.constant 8.000000e+00 : f32
        %mul3A_401 = vector.broadcast %mul3A_400 : f32 to vector<16xf32>
        %mul3A_402 = arith.mulf %get3A_399, %mul3A_401 : vector<16xf32>
        %swap3A = arith.index_cast %scan3A_396 : i32 to index
        %swap3A_403 = arith.constant 0 : index
        %swap3A_404 = tpu.vector_load %arg9[%swap3A, %swap3A_403] {strides = array<i32>} : memref<200x64xf32, #tpu.memory_space<vmem>>, vector<1x16xf32>,
        %swap3A_405 = vector.shape_cast %swap3A_404 : vector<1x16xf32> to vector<16xf32>
        %swap3A_406 = vector.shape_cast %mul3A_402 : vector<16xf32> to vector<1x16xf32>
        tpu.vector_store %arg9[%swap3A, %swap3A_403], %swap3A_406 {strides = array<i32>} : memref<200x64xf32, #tpu.memory_space<vmem>>, vector<1x16xf32>,
        %get3A_407 = arith.index_cast %scan3A_396 : i32 to index
        %get3A_408 = arith.constant 16 : index
        %get3A_409 = tpu.vector_load %arg9[%get3A_407, %get3A_408] {strides = array<i32>} : memref<200x64xf32, #tpu.memory_space<vmem>>, vector<1x16xf32>,
        %get3A_410 = vector.shape_cast %get3A_409 : vector<1x16xf32> to vector<16xf32>
        %mul3A_411 = arith.constant 8.000000e+00 : f32
        %mul3A_412 = vector.broadcast %mul3A_411 : f32 to vector<16xf32>
        %mul3A_413 = arith.mulf %get3A_410, %mul3A_412 : vector<16xf32>
        %swap3A_414 = arith.index_cast %scan3A_396 : i32 to index
        %swap3A_415 = arith.constant 16 : index
        %swap3A_416 = tpu.vector_load %arg9[%swap3A_414, %swap3A_415] {strides = array<i32>} : memref<200x64xf32, #tpu.memory_space<vmem>>, vector<1x16xf32>,
        %swap3A_417 = vector.shape_cast %swap3A_416 : vector<1x16xf32> to vector<16xf32>
        %swap3A_418 = vector.shape_cast %mul3A_413 : vector<16xf32> to vector<1x16xf32>
        tpu.vector_store %arg9[%swap3A_414, %swap3A_415], %swap3A_418 {strides = array<i32>} : memref<200x64xf32, #tpu.memory_space<vmem>>, vector<1x16xf32>,
        %get3A_419 = arith.index_cast %scan3A_396 : i32 to index
        %get3A_420 = arith.constant 32 : index
        %get3A_421 = tpu.vector_load %arg9[%get3A_419, %get3A_420] {strides = array<i32>} : memref<200x64xf32, #tpu.memory_space<vmem>>, vector<1x16xf32>,
        %get3A_422 = vector.shape_cast %get3A_421 : vector<1x16xf32> to vector<16xf32>
        %mul3A_423 = arith.constant 8.000000e+00 : f32
        %mul3A_424 = vector.broadcast %mul3A_423 : f32 to vector<16xf32>
        %mul3A_425 = arith.mulf %get3A_422, %mul3A_424 : vector<16xf32>
        %swap3A_426 = arith.index_cast %scan3A_396 : i32 to index
        %swap3A_427 = arith.constant 32 : index
        %swap3A_428 = tpu.vector_load %arg9[%swap3A_426, %swap3A_427] {strides = array<i32>} : memref<200x64xf32, #tpu.memory_space<vmem>>, vector<1x16xf32>,
        %swap3A_429 = vector.shape_cast %swap3A_428 : vector<1x16xf32> to vector<16xf32>
        %swap3A_430 = vector.shape_cast %mul3A_425 : vector<16xf32> to vector<1x16xf32>
        tpu.vector_store %arg9[%swap3A_426, %swap3A_427], %swap3A_430 {strides = array<i32>} : memref<200x64xf32, #tpu.memory_space<vmem>>, vector<1x16xf32>,
        %get3A_431 = arith.index_cast %scan3A_396 : i32 to index
        %get3A_432 = arith.constant 48 : index
        %get3A_433 = tpu.vector_load %arg9[%get3A_431, %get3A_432] {strides = array<i32>} : memref<200x64xf32, #tpu.memory_space<vmem>>, vector<1x16xf32>,
        %get3A_434 = vector.shape_cast %get3A_433 : vector<1x16xf32> to vector<16xf32>
        %mul3A_435 = arith.constant 8.000000e+00 : f32
        %mul3A_436 = vector.broadcast %mul3A_435 : f32 to vector<16xf32>
        %mul3A_437 = arith.mulf %get3A_434, %mul3A_436 : vector<16xf32>
        %swap3A_438 = arith.index_cast %scan3A_396 : i32 to index
        %swap3A_439 = arith.constant 48 : index
        %swap3A_440 = tpu.vector_load %arg9[%swap3A_438, %swap3A_439] {strides = array<i32>} : memref<200x64xf32, #tpu.memory_space<vmem>>, vector<1x16xf32>,
        %swap3A_441 = vector.shape_cast %swap3A_440 : vector<1x16xf32> to vector<16xf32>
        %swap3A_442 = vector.shape_cast %mul3A_437 : vector<16xf32> to vector<1x16xf32>
        tpu.vector_store %arg9[%swap3A_438, %swap3A_439], %swap3A_442 {strides = array<i32>} : memref<200x64xf32, #tpu.memory_space<vmem>>, vector<1x16xf32>,
      }
      %scan3A_286 = arith.constant 200 : i32
      %add3A_287 = arith.addi %mul3A_2, %add3A_274 : i32
      %dma_start3A_288 = arith.constant 0 : i32
      %dma_start3A_289 = arith.constant 0 : i32
      %dma_start3A_290 = tpu.memref_slice %arg4[%add3A_287, %dma_start3A_288, %dma_start3A_289] : memref<4096x200x64xf32, #tpu.memory_space<hbm>> -> memref<1x200x64xf32, #tpu.memory_space<hbm>>
      %dma_start3A_291 = tpu.memref_squeeze %dma_start3A_290 : memref<1x200x64xf32, #tpu.memory_space<hbm>> -> memref<200x64xf32, #tpu.memory_space<hbm>>
      %dma_start3A_292 = arith.constant 0 : i32
      %dma_start3A_293 = arith.constant 0 : i32
      %dma_start3A_294 = tpu.memref_slice %arg4[%add3A_287, %dma_start3A_292, %dma_start3A_293] : memref<4096x200x64xf32, #tpu.memory_space<hbm>> -> memref<1x200x64xf32, #tpu.memory_space<hbm>>
      %dma_start3A_295 = tpu.memref_squeeze %dma_start3A_294 : memref<1x200x64xf32, #tpu.memory_space<hbm>> -> memref<200x64xf32, #tpu.memory_space<hbm>>
      tpu.enqueue_dma source(%arg9 : memref<200x64xf32, #tpu.memory_space<vmem>>) target(%dma_start3A_295 : memref<200x64xf32, #tpu.memory_space<hbm>>) target_semaphore(%arg25 : memref<!tpu.dma_semaphore, #tpu.memory_space<semaphore_mem>>)
      %mul3A_296 = arith.constant 8 : i32
      %mul3A_297 = arith.muli %scan3A_79, %mul3A_296 : i32
      %add3A_298 = arith.constant 4 : i32
      %add3A_299 = arith.addi %mul3A_297, %add3A_298 : i32
      %dma_wait3A_300 = arith.constant 0 : i32
      %dma_wait3A_301 = tpu.memref_slice %arg5[%add3A_299, %dma_wait3A_300] : memref<128x200xi32, #tpu.memory_space<vmem>> -> memref<1x200xi32, #tpu.memory_space<vmem>>
      %dma_wait3A_302 = tpu.memref_squeeze %dma_wait3A_301 : memref<1x200xi32, #tpu.memory_space<vmem>> -> memref<200xi32, #tpu.memory_space<vmem>>
      %dma_wait3A_303 = arith.constant 0 : i32
      %dma_wait3A_304 = arith.constant 0 : i32
      %dma_wait3A_305 = tpu.memref_slice %arg3[%dma_wait3A_303, %dma_wait3A_304] : memref<1000000x64xf32, #tpu.memory_space<hbm>> -> memref<1000000x64xf32, #tpu.memory_space<hbm>>
      tpu.wait_indirect_dma semaphore(%arg18 : memref<!tpu.dma_semaphore, #tpu.memory_space<semaphore_mem>>) src(%dma_wait3A_305 : memref<1000000x64xf32, #tpu.memory_space<hbm>>) dst(%arg10 : memref<200x64xf32, #tpu.memory_space<vmem>>)
      %scan3A_306 = arith.constant 0 : i32
      %scan3A_307 = arith.constant 0 : i32
      %scan3A_308 = arith.constant 200 : i32
      %scan3A_309 = arith.addi %scan3A_307, %scan3A_308 : i32
      %scan3A_310 = arith.constant 1 : i32
      scf.for %scan3A_396 = %scan3A_307 to %scan3A_309 step %scan3A_310  : i32 {
        %get3A = arith.index_cast %scan3A_396 : i32 to index
        %get3A_397 = arith.constant 0 : index
        %get3A_398 = tpu.vector_load %arg10[%get3A, %get3A_397] {strides = array<i32>} : memref<200x64xf32, #tpu.memory_space<vmem>>, vector<1x16xf32>,
        %get3A_399 = vector.shape_cast %get3A_398 : vector<1x16xf32> to vector<16xf32>
        %mul3A_400 = arith.constant 8.000000e+00 : f32
        %mul3A_401 = vector.broadcast %mul3A_400 : f32 to vector<16xf32>
        %mul3A_402 = arith.mulf %get3A_399, %mul3A_401 : vector<16xf32>
        %swap3A = arith.index_cast %scan3A_396 : i32 to index
        %swap3A_403 = arith.constant 0 : index
        %swap3A_404 = tpu.vector_load %arg10[%swap3A, %swap3A_403] {strides = array<i32>} : memref<200x64xf32, #tpu.memory_space<vmem>>, vector<1x16xf32>,
        %swap3A_405 = vector.shape_cast %swap3A_404 : vector<1x16xf32> to vector<16xf32>
        %swap3A_406 = vector.shape_cast %mul3A_402 : vector<16xf32> to vector<1x16xf32>
        tpu.vector_store %arg10[%swap3A, %swap3A_403], %swap3A_406 {strides = array<i32>} : memref<200x64xf32, #tpu.memory_space<vmem>>, vector<1x16xf32>,
        %get3A_407 = arith.index_cast %scan3A_396 : i32 to index
        %get3A_408 = arith.constant 16 : index
        %get3A_409 = tpu.vector_load %arg10[%get3A_407, %get3A_408] {strides = array<i32>} : memref<200x64xf32, #tpu.memory_space<vmem>>, vector<1x16xf32>,
        %get3A_410 = vector.shape_cast %get3A_409 : vector<1x16xf32> to vector<16xf32>
        %mul3A_411 = arith.constant 8.000000e+00 : f32
        %mul3A_412 = vector.broadcast %mul3A_411 : f32 to vector<16xf32>
        %mul3A_413 = arith.mulf %get3A_410, %mul3A_412 : vector<16xf32>
        %swap3A_414 = arith.index_cast %scan3A_396 : i32 to index
        %swap3A_415 = arith.constant 16 : index
        %swap3A_416 = tpu.vector_load %arg10[%swap3A_414, %swap3A_415] {strides = array<i32>} : memref<200x64xf32, #tpu.memory_space<vmem>>, vector<1x16xf32>,
        %swap3A_417 = vector.shape_cast %swap3A_416 : vector<1x16xf32> to vector<16xf32>
        %swap3A_418 = vector.shape_cast %mul3A_413 : vector<16xf32> to vector<1x16xf32>
        tpu.vector_store %arg10[%swap3A_414, %swap3A_415], %swap3A_418 {strides = array<i32>} : memref<200x64xf32, #tpu.memory_space<vmem>>, vector<1x16xf32>,
        %get3A_419 = arith.index_cast %scan3A_396 : i32 to index
        %get3A_420 = arith.constant 32 : index
        %get3A_421 = tpu.vector_load %arg10[%get3A_419, %get3A_420] {strides = array<i32>} : memref<200x64xf32, #tpu.memory_space<vmem>>, vector<1x16xf32>,
        %get3A_422 = vector.shape_cast %get3A_421 : vector<1x16xf32> to vector<16xf32>
        %mul3A_423 = arith.constant 8.000000e+00 : f32
        %mul3A_424 = vector.broadcast %mul3A_423 : f32 to vector<16xf32>
        %mul3A_425 = arith.mulf %get3A_422, %mul3A_424 : vector<16xf32>
        %swap3A_426 = arith.index_cast %scan3A_396 : i32 to index
        %swap3A_427 = arith.constant 32 : index
        %swap3A_428 = tpu.vector_load %arg10[%swap3A_426, %swap3A_427] {strides = array<i32>} : memref<200x64xf32, #tpu.memory_space<vmem>>, vector<1x16xf32>,
        %swap3A_429 = vector.shape_cast %swap3A_428 : vector<1x16xf32> to vector<16xf32>
        %swap3A_430 = vector.shape_cast %mul3A_425 : vector<16xf32> to vector<1x16xf32>
        tpu.vector_store %arg10[%swap3A_426, %swap3A_427], %swap3A_430 {strides = array<i32>} : memref<200x64xf32, #tpu.memory_space<vmem>>, vector<1x16xf32>,
        %get3A_431 = arith.index_cast %scan3A_396 : i32 to index
        %get3A_432 = arith.constant 48 : index
        %get3A_433 = tpu.vector_load %arg10[%get3A_431, %get3A_432] {strides = array<i32>} : memref<200x64xf32, #tpu.memory_space<vmem>>, vector<1x16xf32>,
        %get3A_434 = vector.shape_cast %get3A_433 : vector<1x16xf32> to vector<16xf32>
        %mul3A_435 = arith.constant 8.000000e+00 : f32
        %mul3A_436 = vector.broadcast %mul3A_435 : f32 to vector<16xf32>
        %mul3A_437 = arith.mulf %get3A_434, %mul3A_436 : vector<16xf32>
        %swap3A_438 = arith.index_cast %scan3A_396 : i32 to index
        %swap3A_439 = arith.constant 48 : index
        %swap3A_440 = tpu.vector_load %arg10[%swap3A_438, %swap3A_439] {strides = array<i32>} : memref<200x64xf32, #tpu.memory_space<vmem>>, vector<1x16xf32>,
        %swap3A_441 = vector.shape_cast %swap3A_440 : vector<1x16xf32> to vector<16xf32>
        %swap3A_442 = vector.shape_cast %mul3A_437 : vector<16xf32> to vector<1x16xf32>
        tpu.vector_store %arg10[%swap3A_438, %swap3A_439], %swap3A_442 {strides = array<i32>} : memref<200x64xf32, #tpu.memory_space<vmem>>, vector<1x16xf32>,
      }
      %scan3A_311 = arith.constant 200 : i32
      %add3A_312 = arith.addi %mul3A_2, %add3A_299 : i32
      %dma_start3A_313 = arith.constant 0 : i32
      %dma_start3A_314 = arith.constant 0 : i32
      %dma_start3A_315 = tpu.memref_slice %arg4[%add3A_312, %dma_start3A_313, %dma_start3A_314] : memref<4096x200x64xf32, #tpu.memory_space<hbm>> -> memref<1x200x64xf32, #tpu.memory_space<hbm>>
      %dma_start3A_316 = tpu.memref_squeeze %dma_start3A_315 : memref<1x200x64xf32, #tpu.memory_space<hbm>> -> memref<200x64xf32, #tpu.memory_space<hbm>>
      %dma_start3A_317 = arith.constant 0 : i32
      %dma_start3A_318 = arith.constant 0 : i32
      %dma_start3A_319 = tpu.memref_slice %arg4[%add3A_312, %dma_start3A_317, %dma_start3A_318] : memref<4096x200x64xf32, #tpu.memory_space<hbm>> -> memref<1x200x64xf32, #tpu.memory_space<hbm>>
      %dma_start3A_320 = tpu.memref_squeeze %dma_start3A_319 : memref<1x200x64xf32, #tpu.memory_space<hbm>> -> memref<200x64xf32, #tpu.memory_space<hbm>>
      tpu.enqueue_dma source(%arg10 : memref<200x64xf32, #tpu.memory_space<vmem>>) target(%dma_start3A_320 : memref<200x64xf32, #tpu.memory_space<hbm>>) target_semaphore(%arg26 : memref<!tpu.dma_semaphore, #tpu.memory_space<semaphore_mem>>)
      %mul3A_321 = arith.constant 8 : i32
      %mul3A_322 = arith.muli %scan3A_79, %mul3A_321 : i32
      %add3A_323 = arith.constant 5 : i32
      %add3A_324 = arith.addi %mul3A_322, %add3A_323 : i32
      %dma_wait3A_325 = arith.constant 0 : i32
      %dma_wait3A_326 = tpu.memref_slice %arg5[%add3A_324, %dma_wait3A_325] : memref<128x200xi32, #tpu.memory_space<vmem>> -> memref<1x200xi32, #tpu.memory_space<vmem>>
      %dma_wait3A_327 = tpu.memref_squeeze %dma_wait3A_326 : memref<1x200xi32, #tpu.memory_space<vmem>> -> memref<200xi32, #tpu.memory_space<vmem>>
      %dma_wait3A_328 = arith.constant 0 : i32
      %dma_wait3A_329 = arith.constant 0 : i32
      %dma_wait3A_330 = tpu.memref_slice %arg3[%dma_wait3A_328, %dma_wait3A_329] : memref<1000000x64xf32, #tpu.memory_space<hbm>> -> memref<1000000x64xf32, #tpu.memory_space<hbm>>
      tpu.wait_indirect_dma semaphore(%arg19 : memref<!tpu.dma_semaphore, #tpu.memory_space<semaphore_mem>>) src(%dma_wait3A_330 : memref<1000000x64xf32, #tpu.memory_space<hbm>>) dst(%arg11 : memref<200x64xf32, #tpu.memory_space<vmem>>)
      %scan3A_331 = arith.constant 0 : i32
      %scan3A_332 = arith.constant 0 : i32
      %scan3A_333 = arith.constant 200 : i32
      %scan3A_334 = arith.addi %scan3A_332, %scan3A_333 : i32
      %scan3A_335 = arith.constant 1 : i32
      scf.for %scan3A_396 = %scan3A_332 to %scan3A_334 step %scan3A_335  : i32 {
        %get3A = arith.index_cast %scan3A_396 : i32 to index
        %get3A_397 = arith.constant 0 : index
        %get3A_398 = tpu.vector_load %arg11[%get3A, %get3A_397] {strides = array<i32>} : memref<200x64xf32, #tpu.memory_space<vmem>>, vector<1x16xf32>,
        %get3A_399 = vector.shape_cast %get3A_398 : vector<1x16xf32> to vector<16xf32>
        %mul3A_400 = arith.constant 8.000000e+00 : f32
        %mul3A_401 = vector.broadcast %mul3A_400 : f32 to vector<16xf32>
        %mul3A_402 = arith.mulf %get3A_399, %mul3A_401 : vector<16xf32>
        %swap3A = arith.index_cast %scan3A_396 : i32 to index
        %swap3A_403 = arith.constant 0 : index
        %swap3A_404 = tpu.vector_load %arg11[%swap3A, %swap3A_403] {strides = array<i32>} : memref<200x64xf32, #tpu.memory_space<vmem>>, vector<1x16xf32>,
        %swap3A_405 = vector.shape_cast %swap3A_404 : vector<1x16xf32> to vector<16xf32>
        %swap3A_406 = vector.shape_cast %mul3A_402 : vector<16xf32> to vector<1x16xf32>
        tpu.vector_store %arg11[%swap3A, %swap3A_403], %swap3A_406 {strides = array<i32>} : memref<200x64xf32, #tpu.memory_space<vmem>>, vector<1x16xf32>,
        %get3A_407 = arith.index_cast %scan3A_396 : i32 to index
        %get3A_408 = arith.constant 16 : index
        %get3A_409 = tpu.vector_load %arg11[%get3A_407, %get3A_408] {strides = array<i32>} : memref<200x64xf32, #tpu.memory_space<vmem>>, vector<1x16xf32>,
        %get3A_410 = vector.shape_cast %get3A_409 : vector<1x16xf32> to vector<16xf32>
        %mul3A_411 = arith.constant 8.000000e+00 : f32
        %mul3A_412 = vector.broadcast %mul3A_411 : f32 to vector<16xf32>
        %mul3A_413 = arith.mulf %get3A_410, %mul3A_412 : vector<16xf32>
        %swap3A_414 = arith.index_cast %scan3A_396 : i32 to index
        %swap3A_415 = arith.constant 16 : index
        %swap3A_416 = tpu.vector_load %arg11[%swap3A_414, %swap3A_415] {strides = array<i32>} : memref<200x64xf32, #tpu.memory_space<vmem>>, vector<1x16xf32>,
        %swap3A_417 = vector.shape_cast %swap3A_416 : vector<1x16xf32> to vector<16xf32>
        %swap3A_418 = vector.shape_cast %mul3A_413 : vector<16xf32> to vector<1x16xf32>
        tpu.vector_store %arg11[%swap3A_414, %swap3A_415], %swap3A_418 {strides = array<i32>} : memref<200x64xf32, #tpu.memory_space<vmem>>, vector<1x16xf32>,
        %get3A_419 = arith.index_cast %scan3A_396 : i32 to index
        %get3A_420 = arith.constant 32 : index
        %get3A_421 = tpu.vector_load %arg11[%get3A_419, %get3A_420] {strides = array<i32>} : memref<200x64xf32, #tpu.memory_space<vmem>>, vector<1x16xf32>,
        %get3A_422 = vector.shape_cast %get3A_421 : vector<1x16xf32> to vector<16xf32>
        %mul3A_423 = arith.constant 8.000000e+00 : f32
        %mul3A_424 = vector.broadcast %mul3A_423 : f32 to vector<16xf32>
        %mul3A_425 = arith.mulf %get3A_422, %mul3A_424 : vector<16xf32>
        %swap3A_426 = arith.index_cast %scan3A_396 : i32 to index
        %swap3A_427 = arith.constant 32 : index
        %swap3A_428 = tpu.vector_load %arg11[%swap3A_426, %swap3A_427] {strides = array<i32>} : memref<200x64xf32, #tpu.memory_space<vmem>>, vector<1x16xf32>,
        %swap3A_429 = vector.shape_cast %swap3A_428 : vector<1x16xf32> to vector<16xf32>
        %swap3A_430 = vector.shape_cast %mul3A_425 : vector<16xf32> to vector<1x16xf32>
        tpu.vector_store %arg11[%swap3A_426, %swap3A_427], %swap3A_430 {strides = array<i32>} : memref<200x64xf32, #tpu.memory_space<vmem>>, vector<1x16xf32>,
        %get3A_431 = arith.index_cast %scan3A_396 : i32 to index
        %get3A_432 = arith.constant 48 : index
        %get3A_433 = tpu.vector_load %arg11[%get3A_431, %get3A_432] {strides = array<i32>} : memref<200x64xf32, #tpu.memory_space<vmem>>, vector<1x16xf32>,
        %get3A_434 = vector.shape_cast %get3A_433 : vector<1x16xf32> to vector<16xf32>
        %mul3A_435 = arith.constant 8.000000e+00 : f32
        %mul3A_436 = vector.broadcast %mul3A_435 : f32 to vector<16xf32>
        %mul3A_437 = arith.mulf %get3A_434, %mul3A_436 : vector<16xf32>
        %swap3A_438 = arith.index_cast %scan3A_396 : i32 to index
        %swap3A_439 = arith.constant 48 : index
        %swap3A_440 = tpu.vector_load %arg11[%swap3A_438, %swap3A_439] {strides = array<i32>} : memref<200x64xf32, #tpu.memory_space<vmem>>, vector<1x16xf32>,
        %swap3A_441 = vector.shape_cast %swap3A_440 : vector<1x16xf32> to vector<16xf32>
        %swap3A_442 = vector.shape_cast %mul3A_437 : vector<16xf32> to vector<1x16xf32>
        tpu.vector_store %arg11[%swap3A_438, %swap3A_439], %swap3A_442 {strides = array<i32>} : memref<200x64xf32, #tpu.memory_space<vmem>>, vector<1x16xf32>,
      }
      %scan3A_336 = arith.constant 200 : i32
      %add3A_337 = arith.addi %mul3A_2, %add3A_324 : i32
      %dma_start3A_338 = arith.constant 0 : i32
      %dma_start3A_339 = arith.constant 0 : i32
      %dma_start3A_340 = tpu.memref_slice %arg4[%add3A_337, %dma_start3A_338, %dma_start3A_339] : memref<4096x200x64xf32, #tpu.memory_space<hbm>> -> memref<1x200x64xf32, #tpu.memory_space<hbm>>
      %dma_start3A_341 = tpu.memref_squeeze %dma_start3A_340 : memref<1x200x64xf32, #tpu.memory_space<hbm>> -> memref<200x64xf32, #tpu.memory_space<hbm>>
      %dma_start3A_342 = arith.constant 0 : i32
      %dma_start3A_343 = arith.constant 0 : i32
      %dma_start3A_344 = tpu.memref_slice %arg4[%add3A_337, %dma_start3A_342, %dma_start3A_343] : memref<4096x200x64xf32, #tpu.memory_space<hbm>> -> memref<1x200x64xf32, #tpu.memory_space<hbm>>
      %dma_start3A_345 = tpu.memref_squeeze %dma_start3A_344 : memref<1x200x64xf32, #tpu.memory_space<hbm>> -> memref<200x64xf32, #tpu.memory_space<hbm>>
      tpu.enqueue_dma source(%arg11 : memref<200x64xf32, #tpu.memory_space<vmem>>) target(%dma_start3A_345 : memref<200x64xf32, #tpu.memory_space<hbm>>) target_semaphore(%arg27 : memref<!tpu.dma_semaphore, #tpu.memory_space<semaphore_mem>>)
      %mul3A_346 = arith.constant 8 : i32
      %mul3A_347 = arith.muli %scan3A_79, %mul3A_346 : i32
      %add3A_348 = arith.constant 6 : i32
      %add3A_349 = arith.addi %mul3A_347, %add3A_348 : i32
      %dma_wait3A_350 = arith.constant 0 : i32
      %dma_wait3A_351 = tpu.memref_slice %arg5[%add3A_349, %dma_wait3A_350] : memref<128x200xi32, #tpu.memory_space<vmem>> -> memref<1x200xi32, #tpu.memory_space<vmem>>
      %dma_wait3A_352 = tpu.memref_squeeze %dma_wait3A_351 : memref<1x200xi32, #tpu.memory_space<vmem>> -> memref<200xi32, #tpu.memory_space<vmem>>
      %dma_wait3A_353 = arith.constant 0 : i32
      %dma_wait3A_354 = arith.constant 0 : i32
      %dma_wait3A_355 = tpu.memref_slice %arg3[%dma_wait3A_353, %dma_wait3A_354] : memref<1000000x64xf32, #tpu.memory_space<hbm>> -> memref<1000000x64xf32, #tpu.memory_space<hbm>>
      tpu.wait_indirect_dma semaphore(%arg20 : memref<!tpu.dma_semaphore, #tpu.memory_space<semaphore_mem>>) src(%dma_wait3A_355 : memref<1000000x64xf32, #tpu.memory_space<hbm>>) dst(%arg12 : memref<200x64xf32, #tpu.memory_space<vmem>>)
      %scan3A_356 = arith.constant 0 : i32
      %scan3A_357 = arith.constant 0 : i32
      %scan3A_358 = arith.constant 200 : i32
      %scan3A_359 = arith.addi %scan3A_357, %scan3A_358 : i32
      %scan3A_360 = arith.constant 1 : i32
      scf.for %scan3A_396 = %scan3A_357 to %scan3A_359 step %scan3A_360  : i32 {
        %get3A = arith.index_cast %scan3A_396 : i32 to index
        %get3A_397 = arith.constant 0 : index
        %get3A_398 = tpu.vector_load %arg12[%get3A, %get3A_397] {strides = array<i32>} : memref<200x64xf32, #tpu.memory_space<vmem>>, vector<1x16xf32>,
        %get3A_399 = vector.shape_cast %get3A_398 : vector<1x16xf32> to vector<16xf32>
        %mul3A_400 = arith.constant 8.000000e+00 : f32
        %mul3A_401 = vector.broadcast %mul3A_400 : f32 to vector<16xf32>
        %mul3A_402 = arith.mulf %get3A_399, %mul3A_401 : vector<16xf32>
        %swap3A = arith.index_cast %scan3A_396 : i32 to index
        %swap3A_403 = arith.constant 0 : index
        %swap3A_404 = tpu.vector_load %arg12[%swap3A, %swap3A_403] {strides = array<i32>} : memref<200x64xf32, #tpu.memory_space<vmem>>, vector<1x16xf32>,
        %swap3A_405 = vector.shape_cast %swap3A_404 : vector<1x16xf32> to vector<16xf32>
        %swap3A_406 = vector.shape_cast %mul3A_402 : vector<16xf32> to vector<1x16xf32>
        tpu.vector_store %arg12[%swap3A, %swap3A_403], %swap3A_406 {strides = array<i32>} : memref<200x64xf32, #tpu.memory_space<vmem>>, vector<1x16xf32>,
        %get3A_407 = arith.index_cast %scan3A_396 : i32 to index
        %get3A_408 = arith.constant 16 : index
        %get3A_409 = tpu.vector_load %arg12[%get3A_407, %get3A_408] {strides = array<i32>} : memref<200x64xf32, #tpu.memory_space<vmem>>, vector<1x16xf32>,
        %get3A_410 = vector.shape_cast %get3A_409 : vector<1x16xf32> to vector<16xf32>
        %mul3A_411 = arith.constant 8.000000e+00 : f32
        %mul3A_412 = vector.broadcast %mul3A_411 : f32 to vector<16xf32>
        %mul3A_413 = arith.mulf %get3A_410, %mul3A_412 : vector<16xf32>
        %swap3A_414 = arith.index_cast %scan3A_396 : i32 to index
        %swap3A_415 = arith.constant 16 : index
        %swap3A_416 = tpu.vector_load %arg12[%swap3A_414, %swap3A_415] {strides = array<i32>} : memref<200x64xf32, #tpu.memory_space<vmem>>, vector<1x16xf32>,
        %swap3A_417 = vector.shape_cast %swap3A_416 : vector<1x16xf32> to vector<16xf32>
        %swap3A_418 = vector.shape_cast %mul3A_413 : vector<16xf32> to vector<1x16xf32>
        tpu.vector_store %arg12[%swap3A_414, %swap3A_415], %swap3A_418 {strides = array<i32>} : memref<200x64xf32, #tpu.memory_space<vmem>>, vector<1x16xf32>,
        %get3A_419 = arith.index_cast %scan3A_396 : i32 to index
        %get3A_420 = arith.constant 32 : index
        %get3A_421 = tpu.vector_load %arg12[%get3A_419, %get3A_420] {strides = array<i32>} : memref<200x64xf32, #tpu.memory_space<vmem>>, vector<1x16xf32>,
        %get3A_422 = vector.shape_cast %get3A_421 : vector<1x16xf32> to vector<16xf32>
        %mul3A_423 = arith.constant 8.000000e+00 : f32
        %mul3A_424 = vector.broadcast %mul3A_423 : f32 to vector<16xf32>
        %mul3A_425 = arith.mulf %get3A_422, %mul3A_424 : vector<16xf32>
        %swap3A_426 = arith.index_cast %scan3A_396 : i32 to index
        %swap3A_427 = arith.constant 32 : index
        %swap3A_428 = tpu.vector_load %arg12[%swap3A_426, %swap3A_427] {strides = array<i32>} : memref<200x64xf32, #tpu.memory_space<vmem>>, vector<1x16xf32>,
        %swap3A_429 = vector.shape_cast %swap3A_428 : vector<1x16xf32> to vector<16xf32>
        %swap3A_430 = vector.shape_cast %mul3A_425 : vector<16xf32> to vector<1x16xf32>
        tpu.vector_store %arg12[%swap3A_426, %swap3A_427], %swap3A_430 {strides = array<i32>} : memref<200x64xf32, #tpu.memory_space<vmem>>, vector<1x16xf32>,
        %get3A_431 = arith.index_cast %scan3A_396 : i32 to index
        %get3A_432 = arith.constant 48 : index
        %get3A_433 = tpu.vector_load %arg12[%get3A_431, %get3A_432] {strides = array<i32>} : memref<200x64xf32, #tpu.memory_space<vmem>>, vector<1x16xf32>,
        %get3A_434 = vector.shape_cast %get3A_433 : vector<1x16xf32> to vector<16xf32>
        %mul3A_435 = arith.constant 8.000000e+00 : f32
        %mul3A_436 = vector.broadcast %mul3A_435 : f32 to vector<16xf32>
        %mul3A_437 = arith.mulf %get3A_434, %mul3A_436 : vector<16xf32>
        %swap3A_438 = arith.index_cast %scan3A_396 : i32 to index
        %swap3A_439 = arith.constant 48 : index
        %swap3A_440 = tpu.vector_load %arg12[%swap3A_438, %swap3A_439] {strides = array<i32>} : memref<200x64xf32, #tpu.memory_space<vmem>>, vector<1x16xf32>,
        %swap3A_441 = vector.shape_cast %swap3A_440 : vector<1x16xf32> to vector<16xf32>
        %swap3A_442 = vector.shape_cast %mul3A_437 : vector<16xf32> to vector<1x16xf32>
        tpu.vector_store %arg12[%swap3A_438, %swap3A_439], %swap3A_442 {strides = array<i32>} : memref<200x64xf32, #tpu.memory_space<vmem>>, vector<1x16xf32>,
      }
      %scan3A_361 = arith.constant 200 : i32
      %add3A_362 = arith.addi %mul3A_2, %add3A_349 : i32
      %dma_start3A_363 = arith.constant 0 : i32
      %dma_start3A_364 = arith.constant 0 : i32
      %dma_start3A_365 = tpu.memref_slice %arg4[%add3A_362, %dma_start3A_363, %dma_start3A_364] : memref<4096x200x64xf32, #tpu.memory_space<hbm>> -> memref<1x200x64xf32, #tpu.memory_space<hbm>>
      %dma_start3A_366 = tpu.memref_squeeze %dma_start3A_365 : memref<1x200x64xf32, #tpu.memory_space<hbm>> -> memref<200x64xf32, #tpu.memory_space<hbm>>
      %dma_start3A_367 = arith.constant 0 : i32
      %dma_start3A_368 = arith.constant 0 : i32
      %dma_start3A_369 = tpu.memref_slice %arg4[%add3A_362, %dma_start3A_367, %dma_start3A_368] : memref<4096x200x64xf32, #tpu.memory_space<hbm>> -> memref<1x200x64xf32, #tpu.memory_space<hbm>>
      %dma_start3A_370 = tpu.memref_squeeze %dma_start3A_369 : memref<1x200x64xf32, #tpu.memory_space<hbm>> -> memref<200x64xf32, #tpu.memory_space<hbm>>
      tpu.enqueue_dma source(%arg12 : memref<200x64xf32, #tpu.memory_space<vmem>>) target(%dma_start3A_370 : memref<200x64xf32, #tpu.memory_space<hbm>>) target_semaphore(%arg28 : memref<!tpu.dma_semaphore, #tpu.memory_space<semaphore_mem>>)
      %mul3A_371 = arith.constant 8 : i32
      %mul3A_372 = arith.muli %scan3A_79, %mul3A_371 : i32
      %add3A_373 = arith.constant 7 : i32
      %add3A_374 = arith.addi %mul3A_372, %add3A_373 : i32
      %dma_wait3A_375 = arith.constant 0 : i32
      %dma_wait3A_376 = tpu.memref_slice %arg5[%add3A_374, %dma_wait3A_375] : memref<128x200xi32, #tpu.memory_space<vmem>> -> memref<1x200xi32, #tpu.memory_space<vmem>>
      %dma_wait3A_377 = tpu.memref_squeeze %dma_wait3A_376 : memref<1x200xi32, #tpu.memory_space<vmem>> -> memref<200xi32, #tpu.memory_space<vmem>>
      %dma_wait3A_378 = arith.constant 0 : i32
      %dma_wait3A_379 = arith.constant 0 : i32
      %dma_wait3A_380 = tpu.memref_slice %arg3[%dma_wait3A_378, %dma_wait3A_379] : memref<1000000x64xf32, #tpu.memory_space<hbm>> -> memref<1000000x64xf32, #tpu.memory_space<hbm>>
      tpu.wait_indirect_dma semaphore(%arg21 : memref<!tpu.dma_semaphore, #tpu.memory_space<semaphore_mem>>) src(%dma_wait3A_380 : memref<1000000x64xf32, #tpu.memory_space<hbm>>) dst(%arg13 : memref<200x64xf32, #tpu.memory_space<vmem>>)
      %scan3A_381 = arith.constant 0 : i32
      %scan3A_382 = arith.constant 0 : i32
      %scan3A_383 = arith.constant 200 : i32
      %scan3A_384 = arith.addi %scan3A_382, %scan3A_383 : i32
      %scan3A_385 = arith.constant 1 : i32
      scf.for %scan3A_396 = %scan3A_382 to %scan3A_384 step %scan3A_385  : i32 {
        %get3A = arith.index_cast %scan3A_396 : i32 to index
        %get3A_397 = arith.constant 0 : index
        %get3A_398 = tpu.vector_load %arg13[%get3A, %get3A_397] {strides = array<i32>} : memref<200x64xf32, #tpu.memory_space<vmem>>, vector<1x16xf32>,
        %get3A_399 = vector.shape_cast %get3A_398 : vector<1x16xf32> to vector<16xf32>
        %mul3A_400 = arith.constant 8.000000e+00 : f32
        %mul3A_401 = vector.broadcast %mul3A_400 : f32 to vector<16xf32>
        %mul3A_402 = arith.mulf %get3A_399, %mul3A_401 : vector<16xf32>
        %swap3A = arith.index_cast %scan3A_396 : i32 to index
        %swap3A_403 = arith.constant 0 : index
        %swap3A_404 = tpu.vector_load %arg13[%swap3A, %swap3A_403] {strides = array<i32>} : memref<200x64xf32, #tpu.memory_space<vmem>>, vector<1x16xf32>,
        %swap3A_405 = vector.shape_cast %swap3A_404 : vector<1x16xf32> to vector<16xf32>
        %swap3A_406 = vector.shape_cast %mul3A_402 : vector<16xf32> to vector<1x16xf32>
        tpu.vector_store %arg13[%swap3A, %swap3A_403], %swap3A_406 {strides = array<i32>} : memref<200x64xf32, #tpu.memory_space<vmem>>, vector<1x16xf32>,
        %get3A_407 = arith.index_cast %scan3A_396 : i32 to index
        %get3A_408 = arith.constant 16 : index
        %get3A_409 = tpu.vector_load %arg13[%get3A_407, %get3A_408] {strides = array<i32>} : memref<200x64xf32, #tpu.memory_space<vmem>>, vector<1x16xf32>,
        %get3A_410 = vector.shape_cast %get3A_409 : vector<1x16xf32> to vector<16xf32>
        %mul3A_411 = arith.constant 8.000000e+00 : f32
        %mul3A_412 = vector.broadcast %mul3A_411 : f32 to vector<16xf32>
        %mul3A_413 = arith.mulf %get3A_410, %mul3A_412 : vector<16xf32>
        %swap3A_414 = arith.index_cast %scan3A_396 : i32 to index
        %swap3A_415 = arith.constant 16 : index
        %swap3A_416 = tpu.vector_load %arg13[%swap3A_414, %swap3A_415] {strides = array<i32>} : memref<200x64xf32, #tpu.memory_space<vmem>>, vector<1x16xf32>,
        %swap3A_417 = vector.shape_cast %swap3A_416 : vector<1x16xf32> to vector<16xf32>
        %swap3A_418 = vector.shape_cast %mul3A_413 : vector<16xf32> to vector<1x16xf32>
        tpu.vector_store %arg13[%swap3A_414, %swap3A_415], %swap3A_418 {strides = array<i32>} : memref<200x64xf32, #tpu.memory_space<vmem>>, vector<1x16xf32>,
        %get3A_419 = arith.index_cast %scan3A_396 : i32 to index
        %get3A_420 = arith.constant 32 : index
        %get3A_421 = tpu.vector_load %arg13[%get3A_419, %get3A_420] {strides = array<i32>} : memref<200x64xf32, #tpu.memory_space<vmem>>, vector<1x16xf32>,
        %get3A_422 = vector.shape_cast %get3A_421 : vector<1x16xf32> to vector<16xf32>
        %mul3A_423 = arith.constant 8.000000e+00 : f32
        %mul3A_424 = vector.broadcast %mul3A_423 : f32 to vector<16xf32>
        %mul3A_425 = arith.mulf %get3A_422, %mul3A_424 : vector<16xf32>
        %swap3A_426 = arith.index_cast %scan3A_396 : i32 to index
        %swap3A_427 = arith.constant 32 : index
        %swap3A_428 = tpu.vector_load %arg13[%swap3A_426, %swap3A_427] {strides = array<i32>} : memref<200x64xf32, #tpu.memory_space<vmem>>, vector<1x16xf32>,
        %swap3A_429 = vector.shape_cast %swap3A_428 : vector<1x16xf32> to vector<16xf32>
        %swap3A_430 = vector.shape_cast %mul3A_425 : vector<16xf32> to vector<1x16xf32>
        tpu.vector_store %arg13[%swap3A_426, %swap3A_427], %swap3A_430 {strides = array<i32>} : memref<200x64xf32, #tpu.memory_space<vmem>>, vector<1x16xf32>,
        %get3A_431 = arith.index_cast %scan3A_396 : i32 to index
        %get3A_432 = arith.constant 48 : index
        %get3A_433 = tpu.vector_load %arg13[%get3A_431, %get3A_432] {strides = array<i32>} : memref<200x64xf32, #tpu.memory_space<vmem>>, vector<1x16xf32>,
        %get3A_434 = vector.shape_cast %get3A_433 : vector<1x16xf32> to vector<16xf32>
        %mul3A_435 = arith.constant 8.000000e+00 : f32
        %mul3A_436 = vector.broadcast %mul3A_435 : f32 to vector<16xf32>
        %mul3A_437 = arith.mulf %get3A_434, %mul3A_436 : vector<16xf32>
        %swap3A_438 = arith.index_cast %scan3A_396 : i32 to index
        %swap3A_439 = arith.constant 48 : index
        %swap3A_440 = tpu.vector_load %arg13[%swap3A_438, %swap3A_439] {strides = array<i32>} : memref<200x64xf32, #tpu.memory_space<vmem>>, vector<1x16xf32>,
        %swap3A_441 = vector.shape_cast %swap3A_440 : vector<1x16xf32> to vector<16xf32>
        %swap3A_442 = vector.shape_cast %mul3A_437 : vector<16xf32> to vector<1x16xf32>
        tpu.vector_store %arg13[%swap3A_438, %swap3A_439], %swap3A_442 {strides = array<i32>} : memref<200x64xf32, #tpu.memory_space<vmem>>, vector<1x16xf32>,
      }
      %scan3A_386 = arith.constant 200 : i32
      %add3A_387 = arith.addi %mul3A_2, %add3A_374 : i32
      %dma_start3A_388 = arith.constant 0 : i32
      %dma_start3A_389 = arith.constant 0 : i32
      %dma_start3A_390 = tpu.memref_slice %arg4[%add3A_387, %dma_start3A_388, %dma_start3A_389] : memref<4096x200x64xf32, #tpu.memory_space<hbm>> -> memref<1x200x64xf32, #tpu.memory_space<hbm>>
      %dma_start3A_391 = tpu.memref_squeeze %dma_start3A_390 : memref<1x200x64xf32, #tpu.memory_space<hbm>> -> memref<200x64xf32, #tpu.memory_space<hbm>>
      %dma_start3A_392 = arith.constant 0 : i32
      %dma_start3A_393 = arith.constant 0 : i32
      %dma_start3A_394 = tpu.memref_slice %arg4[%add3A_387, %dma_start3A_392, %dma_start3A_393] : memref<4096x200x64xf32, #tpu.memory_space<hbm>> -> memref<1x200x64xf32, #tpu.memory_space<hbm>>
      %dma_start3A_395 = tpu.memref_squeeze %dma_start3A_394 : memref<1x200x64xf32, #tpu.memory_space<hbm>> -> memref<200x64xf32, #tpu.memory_space<hbm>>
      tpu.enqueue_dma source(%arg13 : memref<200x64xf32, #tpu.memory_space<vmem>>) target(%dma_start3A_395 : memref<200x64xf32, #tpu.memory_space<hbm>>) target_semaphore(%arg29 : memref<!tpu.dma_semaphore, #tpu.memory_space<semaphore_mem>>)
    }
    %scan3A_7 = arith.constant 16 : i32
    %dma_wait3A = arith.constant 0 : i32
    %dma_wait3A_8 = arith.constant 0 : i32
    %dma_wait3A_9 = arith.constant 0 : i32
    %dma_wait3A_10 = tpu.memref_slice %arg4[%dma_wait3A, %dma_wait3A_8, %dma_wait3A_9] : memref<4096x200x64xf32, #tpu.memory_space<hbm>> -> memref<1x200x64xf32, #tpu.memory_space<hbm>>
    %dma_wait3A_11 = tpu.memref_squeeze %dma_wait3A_10 : memref<1x200x64xf32, #tpu.memory_space<hbm>> -> memref<200x64xf32, #tpu.memory_space<hbm>>
    %dma_wait3A_12 = arith.constant 0 : i32
    %dma_wait3A_13 = arith.constant 0 : i32
    %dma_wait3A_14 = tpu.memref_slice %arg4[%dma_wait3A, %dma_wait3A_12, %dma_wait3A_13] : memref<4096x200x64xf32, #tpu.memory_space<hbm>> -> memref<1x200x64xf32, #tpu.memory_space<hbm>>
    %dma_wait3A_15 = tpu.memref_squeeze %dma_wait3A_14 : memref<1x200x64xf32, #tpu.memory_space<hbm>> -> memref<200x64xf32, #tpu.memory_space<hbm>>
    tpu.wait_dma2 semaphore(%arg22 : memref<!tpu.dma_semaphore, #tpu.memory_space<semaphore_mem>>) src(%arg6 : memref<200x64xf32, #tpu.memory_space<vmem>>) dst(%dma_wait3A_15 : memref<200x64xf32, #tpu.memory_space<hbm>>)
    %dma_wait3A_16 = arith.constant 0 : i32
    %dma_wait3A_17 = arith.constant 0 : i32
    %dma_wait3A_18 = arith.constant 0 : i32
    %dma_wait3A_19 = tpu.memref_slice %arg4[%dma_wait3A_16, %dma_wait3A_17, %dma_wait3A_18] : memref<4096x200x64xf32, #tpu.memory_space<hbm>> -> memref<1x200x64xf32, #tpu.memory_space<hbm>>
    %dma_wait3A_20 = tpu.memref_squeeze %dma_wait3A_19 : memref<1x200x64xf32, #tpu.memory_space<hbm>> -> memref<200x64xf32, #tpu.memory_space<hbm>>
    %dma_wait3A_21 = arith.constant 0 : i32
    %dma_wait3A_22 = arith.constant 0 : i32
    %dma_wait3A_23 = tpu.memref_slice %arg4[%dma_wait3A_16, %dma_wait3A_21, %dma_wait3A_22] : memref<4096x200x64xf32, #tpu.memory_space<hbm>> -> memref<1x200x64xf32, #tpu.memory_space<hbm>>
    %dma_wait3A_24 = tpu.memref_squeeze %dma_wait3A_23 : memref<1x200x64xf32, #tpu.memory_space<hbm>> -> memref<200x64xf32, #tpu.memory_space<hbm>>
    tpu.wait_dma2 semaphore(%arg23 : memref<!tpu.dma_semaphore, #tpu.memory_space<semaphore_mem>>) src(%arg7 : memref<200x64xf32, #tpu.memory_space<vmem>>) dst(%dma_wait3A_24 : memref<200x64xf32, #tpu.memory_space<hbm>>)
    %dma_wait3A_25 = arith.constant 0 : i32
    %dma_wait3A_26 = arith.constant 0 : i32
    %dma_wait3A_27 = arith.constant 0 : i32
    %dma_wait3A_28 = tpu.memref_slice %arg4[%dma_wait3A_25, %dma_wait3A_26, %dma_wait3A_27] : memref<4096x200x64xf32, #tpu.memory_space<hbm>> -> memref<1x200x64xf32, #tpu.memory_space<hbm>>
    %dma_wait3A_29 = tpu.memref_squeeze %dma_wait3A_28 : memref<1x200x64xf32, #tpu.memory_space<hbm>> -> memref<200x64xf32, #tpu.memory_space<hbm>>
    %dma_wait3A_30 = arith.constant 0 : i32
    %dma_wait3A_31 = arith.constant 0 : i32
    %dma_wait3A_32 = tpu.memref_slice %arg4[%dma_wait3A_25, %dma_wait3A_30, %dma_wait3A_31] : memref<4096x200x64xf32, #tpu.memory_space<hbm>> -> memref<1x200x64xf32, #tpu.memory_space<hbm>>
    %dma_wait3A_33 = tpu.memref_squeeze %dma_wait3A_32 : memref<1x200x64xf32, #tpu.memory_space<hbm>> -> memref<200x64xf32, #tpu.memory_space<hbm>>
    tpu.wait_dma2 semaphore(%arg24 : memref<!tpu.dma_semaphore, #tpu.memory_space<semaphore_mem>>) src(%arg8 : memref<200x64xf32, #tpu.memory_space<vmem>>) dst(%dma_wait3A_33 : memref<200x64xf32, #tpu.memory_space<hbm>>)
    %dma_wait3A_34 = arith.constant 0 : i32
    %dma_wait3A_35 = arith.constant 0 : i32
    %dma_wait3A_36 = arith.constant 0 : i32
    %dma_wait3A_37 = tpu.memref_slice %arg4[%dma_wait3A_34, %dma_wait3A_35, %dma_wait3A_36] : memref<4096x200x64xf32, #tpu.memory_space<hbm>> -> memref<1x200x64xf32, #tpu.memory_space<hbm>>
    %dma_wait3A_38 = tpu.memref_squeeze %dma_wait3A_37 : memref<1x200x64xf32, #tpu.memory_space<hbm>> -> memref<200x64xf32, #tpu.memory_space<hbm>>
    %dma_wait3A_39 = arith.constant 0 : i32
    %dma_wait3A_40 = arith.constant 0 : i32
    %dma_wait3A_41 = tpu.memref_slice %arg4[%dma_wait3A_34, %dma_wait3A_39, %dma_wait3A_40] : memref<4096x200x64xf32, #tpu.memory_space<hbm>> -> memref<1x200x64xf32, #tpu.memory_space<hbm>>
    %dma_wait3A_42 = tpu.memref_squeeze %dma_wait3A_41 : memref<1x200x64xf32, #tpu.memory_space<hbm>> -> memref<200x64xf32, #tpu.memory_space<hbm>>
    tpu.wait_dma2 semaphore(%arg25 : memref<!tpu.dma_semaphore, #tpu.memory_space<semaphore_mem>>) src(%arg9 : memref<200x64xf32, #tpu.memory_space<vmem>>) dst(%dma_wait3A_42 : memref<200x64xf32, #tpu.memory_space<hbm>>)
    %dma_wait3A_43 = arith.constant 0 : i32
    %dma_wait3A_44 = arith.constant 0 : i32
    %dma_wait3A_45 = arith.constant 0 : i32
    %dma_wait3A_46 = tpu.memref_slice %arg4[%dma_wait3A_43, %dma_wait3A_44, %dma_wait3A_45] : memref<4096x200x64xf32, #tpu.memory_space<hbm>> -> memref<1x200x64xf32, #tpu.memory_space<hbm>>
    %dma_wait3A_47 = tpu.memref_squeeze %dma_wait3A_46 : memref<1x200x64xf32, #tpu.memory_space<hbm>> -> memref<200x64xf32, #tpu.memory_space<hbm>>
    %dma_wait3A_48 = arith.constant 0 : i32
    %dma_wait3A_49 = arith.constant 0 : i32
    %dma_wait3A_50 = tpu.memref_slice %arg4[%dma_wait3A_43, %dma_wait3A_48, %dma_wait3A_49] : memref<4096x200x64xf32, #tpu.memory_space<hbm>> -> memref<1x200x64xf32, #tpu.memory_space<hbm>>
    %dma_wait3A_51 = tpu.memref_squeeze %dma_wait3A_50 : memref<1x200x64xf32, #tpu.memory_space<hbm>> -> memref<200x64xf32, #tpu.memory_space<hbm>>
    tpu.wait_dma2 semaphore(%arg26 : memref<!tpu.dma_semaphore, #tpu.memory_space<semaphore_mem>>) src(%arg10 : memref<200x64xf32, #tpu.memory_space<vmem>>) dst(%dma_wait3A_51 : memref<200x64xf32, #tpu.memory_space<hbm>>)
    %dma_wait3A_52 = arith.constant 0 : i32
    %dma_wait3A_53 = arith.constant 0 : i32
    %dma_wait3A_54 = arith.constant 0 : i32
    %dma_wait3A_55 = tpu.memref_slice %arg4[%dma_wait3A_52, %dma_wait3A_53, %dma_wait3A_54] : memref<4096x200x64xf32, #tpu.memory_space<hbm>> -> memref<1x200x64xf32, #tpu.memory_space<hbm>>
    %dma_wait3A_56 = tpu.memref_squeeze %dma_wait3A_55 : memref<1x200x64xf32, #tpu.memory_space<hbm>> -> memref<200x64xf32, #tpu.memory_space<hbm>>
    %dma_wait3A_57 = arith.constant 0 : i32
    %dma_wait3A_58 = arith.constant 0 : i32
    %dma_wait3A_59 = tpu.memref_slice %arg4[%dma_wait3A_52, %dma_wait3A_57, %dma_wait3A_58] : memref<4096x200x64xf32, #tpu.memory_space<hbm>> -> memref<1x200x64xf32, #tpu.memory_space<hbm>>
    %dma_wait3A_60 = tpu.memref_squeeze %dma_wait3A_59 : memref<1x200x64xf32, #tpu.memory_space<hbm>> -> memref<200x64xf32, #tpu.memory_space<hbm>>
    tpu.wait_dma2 semaphore(%arg27 : memref<!tpu.dma_semaphore, #tpu.memory_space<semaphore_mem>>) src(%arg11 : memref<200x64xf32, #tpu.memory_space<vmem>>) dst(%dma_wait3A_60 : memref<200x64xf32, #tpu.memory_space<hbm>>)
    %dma_wait3A_61 = arith.constant 0 : i32
    %dma_wait3A_62 = arith.constant 0 : i32
    %dma_wait3A_63 = arith.constant 0 : i32
    %dma_wait3A_64 = tpu.memref_slice %arg4[%dma_wait3A_61, %dma_wait3A_62, %dma_wait3A_63] : memref<4096x200x64xf32, #tpu.memory_space<hbm>> -> memref<1x200x64xf32, #tpu.memory_space<hbm>>
    %dma_wait3A_65 = tpu.memref_squeeze %dma_wait3A_64 : memref<1x200x64xf32, #tpu.memory_space<hbm>> -> memref<200x64xf32, #tpu.memory_space<hbm>>
    %dma_wait3A_66 = arith.constant 0 : i32
    %dma_wait3A_67 = arith.constant 0 : i32
    %dma_wait3A_68 = tpu.memref_slice %arg4[%dma_wait3A_61, %dma_wait3A_66, %dma_wait3A_67] : memref<4096x200x64xf32, #tpu.memory_space<hbm>> -> memref<1x200x64xf32, #tpu.memory_space<hbm>>
    %dma_wait3A_69 = tpu.memref_squeeze %dma_wait3A_68 : memref<1x200x64xf32, #tpu.memory_space<hbm>> -> memref<200x64xf32, #tpu.memory_space<hbm>>
    tpu.wait_dma2 semaphore(%arg28 : memref<!tpu.dma_semaphore, #tpu.memory_space<semaphore_mem>>) src(%arg12 : memref<200x64xf32, #tpu.memory_space<vmem>>) dst(%dma_wait3A_69 : memref<200x64xf32, #tpu.memory_space<hbm>>)
    %dma_wait3A_70 = arith.constant 0 : i32
    %dma_wait3A_71 = arith.constant 0 : i32
    %dma_wait3A_72 = arith.constant 0 : i32
    %dma_wait3A_73 = tpu.memref_slice %arg4[%dma_wait3A_70, %dma_wait3A_71, %dma_wait3A_72] : memref<4096x200x64xf32, #tpu.memory_space<hbm>> -> memref<1x200x64xf32, #tpu.memory_space<hbm>>
    %dma_wait3A_74 = tpu.memref_squeeze %dma_wait3A_73 : memref<1x200x64xf32, #tpu.memory_space<hbm>> -> memref<200x64xf32, #tpu.memory_space<hbm>>
    %dma_wait3A_75 = arith.constant 0 : i32
    %dma_wait3A_76 = arith.constant 0 : i32
    %dma_wait3A_77 = tpu.memref_slice %arg4[%dma_wait3A_70, %dma_wait3A_75, %dma_wait3A_76] : memref<4096x200x64xf32, #tpu.memory_space<hbm>> -> memref<1x200x64xf32, #tpu.memory_space<hbm>>
    %dma_wait3A_78 = tpu.memref_squeeze %dma_wait3A_77 : memref<1x200x64xf32, #tpu.memory_space<hbm>> -> memref<200x64xf32, #tpu.memory_space<hbm>>
    tpu.wait_dma2 semaphore(%arg29 : memref<!tpu.dma_semaphore, #tpu.memory_space<semaphore_mem>>) src(%arg13 : memref<200x64xf32, #tpu.memory_space<vmem>>) dst(%dma_wait3A_78 : memref<200x64xf32, #tpu.memory_space<hbm>>)
    return
  }
}

</mosaic_0001>

<sc_bundles>
// kernel: kernel.3.cloned.1.call-start
scs
__scs_entry_jumppad:
0x0: {  	(pc) =	sbr.rel $0x88, $3  }
0x1: {  	(tag) =	ssettag $0x0;
	lr =	simm.s32 $0x1  }
0x2: {  	[smem:$0x3F9F] =	sst lr;
	_ =	strace $0xD0000000  }
0x3: {  	_ = 	snop  }
0x4: {  	_ = 	snop  }
0x5: {  	_ = 	snop  }
0x6: {  	_ = 	snop  }
0x7: {  	_ = 	snop  }
__scs_overlays_trampoline_lowered:
0x8: {  	[smem:$0x3FAE] =	sst s0  }
0x9: {  	[smem:$0x3FAF] =	sst s1  }
0xa: {  	[smem:$0x3FB0] =	sst s2  }
0xb: {  	[smem:$0x3FB1] =	sst s3  }
0xc: {  	[smem:$0x3FB2] =	sst s4  }
0xd: {  	[smem:$0x3FB3] =	sst s5  }
0xe: {  	[smem:$0x3FB4] =	sst s6  }
0xf: {  	[smem:$0x3FB5] =	sst s7  }
0x10: {  	[smem:$0x3FB6] =	sst s8  }
0x11: {  	[smem:$0x3FB7] =	sst s9;
	s0 =	simm.s32 @!p0 $0x0  }
0x12: {  	s1 =	sld [smem:$0x3F9D];
	s0 =	simm.s32 @p0 $0x1  }
0x13: {  	[smem:$0x3FB8] =	sst s0;
	s0 =	simm.s32 @!p1 $0x0  }
0x14: {  	s2 =	sld [smem:$0x3F9C];
	s0 =	simm.s32 @p1 $0x1  }
0x15: {  	[smem:$0x3FB9] =	sst s0;
	s0 =	simm.s32 @!p2 $0x0  }
0x16: {  	s3 =	sld [smem:$0x3FDB];
	s0 =	simm.s32 @p2 $0x1  }
0x17: {  	s4 =	simm.s32 $0x1BF5;
	[smem:$0x3FBB] =	sst s0  }
0x18: {  	s0 =	sld [smem:$0x3F9E];
	_ =	swait.ge [sflag:s4], $0x0  }
0x19: {  	s7 =	sld [smem:$0x3F9F]  }
0x1a: {  	s8 =	sadd.s32 $0xFFFFE003, lr  }
0x1b: {  	s9 =	sadd.s32 $0xFFFFFEF7, lr;
	s5 =	simm.s32 $0xFFFFFFFF;
	p2 =	slt.u32 s8, $0xFFFFF086  }
0x1c: {  	p1 =	slt.u32 s9, $0xF7A;
	s5 =	simm.s32 @!p2 $0x0  }
0x1d: {  	s5 =	simm.s32 @p1 $0x1;
	p0 =	seq.s32 s7, s2  }
0x1e: {  	s7 =	smul.u32 @!p0 $0xF7A, s2;
	p2 =	seq.s32 @!p0 s5, $0x0  }
0x1f: {  	s9 =	smul.u32 $0xF7A, s1;
	s8 =	simm.s32 @!p0 $0x1BF5;
	p2 =	por !p2, p0  }
0x20: {  	[sflag:s8] =	ssyncset.s32 @!p0 $0xFFFFF086;
	s6 =	sadd.s32 @!p0 s3, s7;
	s7 =	simm.s32 @!p0 $0x108  }
0x21: {  	s3 =	sadd.s32 s3, s9;
	s6 =	sadd.s32 @!p0 $0x88, s6;
	s7 =	simm.s32 @p2 $0x1082  }
0x22: {  	[simem:s7], [sflag:s8] =	dma.local @!p0 [hbm:s6], $0xF7A  }
0x23: {  	s9 =	sor.u32 $0xD0000000, s2;
	s6 =	simm.s32 $0x108;
	_ =	swait.ge @!p0 [sflag:s8], $0x0  }
0x24: {  	s3 =	sadd.s32 $0x88, s3;
	s6 =	simm.s32 @!p1 $0x1082;
	[sflag:s4] =	ssyncset.s32 $0xFFFFF086  }
0x25: {  	[simem:s6], [sflag:s4] =	dma.local [hbm:s3], $0xF7A  }
0x26: {  	[smem:$0x3F9F] =	sst s1;
	(tag) =	ssettag s2;
	_ =	strace s9  }
0x27: {  	s1 =	sld [smem:$0x3FAF]  }
0x28: {  	s2 =	sld [smem:$0x3FB0]  }
0x29: {  	s4 =	sld [smem:$0x3FB2]  }
0x2a: {  	p0 =	seq.s32 s5, $0x0;
	s5 =	sld [smem:$0x3FB3]  }
0x2b: {  	s6 =	sld [smem:$0x3FB4]  }
0x2c: {  	s7 =	sld [smem:$0x3FB5]  }
0x2d: {  	s3 =	simm.s32 $0x108;
	s8 =	sld [smem:$0x3FB6]  }
0x2e: {  	s3 =	simm.s32 @!p0 $0x1082;
	s9 =	sld [smem:$0x3FB7]  }
0x2f: {  	lr =	sadd.s32 s0, s3;
	s0 =	sld [smem:$0x3FAE]  }
0x30: {  	s3 =	sld [smem:$0x3FB1]  }
0x31: {  	[smem:$0x3FBA] =	sst s10  }
0x32: {  	s10 =	sld [smem:$0x3FB8];
	_ =	sdelay $0x3  }
0x33: {  	p0 =	seq.s32 s10, $0x1;
	s10 =	sld [smem:$0x3FBA];
	_ =	sdelay $0x3  }
0x34: {  	[smem:$0x3FBA] =	sst s10  }
0x35: {  	s10 =	sld [smem:$0x3FB9];
	_ =	sdelay $0x3  }
0x36: {  	p1 =	seq.s32 s10, $0x1;
	s10 =	sld [smem:$0x3FBA];
	_ =	sdelay $0x3  }
0x37: {  	[smem:$0x3FBA] =	sst s10  }
0x38: {  	s10 =	sld [smem:$0x3FBB]  }
0x39: {  	_ = 	snop;
	(pc) =	sbr.ind lr, $3  }
0x3a: {  	_ = 	snop  }
0x3b: {  	_ = 	snop  }
0x3c: {  	p2 =	seq.s32 s10, $0x1;
	s10 =	sld [smem:$0x3FBA]  }
0x3d: {  	_ =	shalt  }
0x3e: {  	_ =	shalt  }
0x3f: {  	_ =	shalt  }
0x40: {  	_ =	shalt  }
0x41: {  	_ =	shalt  }
0x42: {  	_ =	shalt  }
0x43: {  	_ =	shalt  }
0x44: {  	_ =	shalt  }
0x45: {  	_ =	shalt  }
0x46: {  	_ =	shalt  }
0x47: {  	_ =	shalt  }
0x48: {  	_ =	shalt  }
0x49: {  	_ =	shalt  }
0x4a: {  	_ =	shalt  }
0x4b: {  	_ =	shalt  }
0x4c: {  	_ =	shalt  }
0x4d: {  	_ =	shalt  }
0x4e: {  	_ =	shalt  }
0x4f: {  	_ =	shalt  }
0x50: {  	_ =	shalt  }
0x51: {  	_ =	shalt  }
0x52: {  	_ =	shalt  }
0x53: {  	_ =	shalt  }
0x54: {  	_ =	shalt  }
0x55: {  	_ =	shalt  }
0x56: {  	_ =	shalt  }
0x57: {  	_ =	shalt  }
0x58: {  	_ =	shalt  }
0x59: {  	_ =	shalt  }
0x5a: {  	_ =	shalt  }
0x5b: {  	_ =	shalt  }
0x5c: {  	_ =	shalt  }
0x5d: {  	_ =	shalt  }
0x5e: {  	_ =	shalt  }
0x5f: {  	_ =	shalt  }
0x60: {  	_ =	shalt  }
0x61: {  	_ =	shalt  }
0x62: {  	_ =	shalt  }
0x63: {  	_ =	shalt  }
0x64: {  	_ =	shalt  }
0x65: {  	_ =	shalt  }
0x66: {  	_ =	shalt  }
0x67: {  	_ =	shalt  }
0x68: {  	_ =	shalt  }
0x69: {  	_ =	shalt  }
0x6a: {  	_ =	shalt  }
0x6b: {  	_ =	shalt  }
0x6c: {  	_ =	shalt  }
0x6d: {  	_ =	shalt  }
0x6e: {  	_ =	shalt  }
0x6f: {  	_ =	shalt  }
0x70: {  	_ =	shalt  }
0x71: {  	_ =	shalt  }
0x72: {  	_ =	shalt  }
0x73: {  	_ =	shalt  }
0x74: {  	_ =	shalt  }
0x75: {  	_ =	shalt  }
0x76: {  	_ =	shalt  }
0x77: {  	_ =	shalt  }
0x78: {  	_ =	shalt  }
0x79: {  	_ =	shalt  }
0x7a: {  	_ =	shalt  }
0x7b: {  	_ =	shalt  }
0x7c: {  	_ =	shalt  }
0x7d: {  	_ =	shalt  }
0x7e: {  	_ =	shalt  }
0x7f: {  	_ =	shalt  }
0x80: {  	_ =	shalt  }
0x81: {  	_ =	shalt  }
0x82: {  	_ =	shalt  }
0x83: {  	_ =	shalt  }
0x84: {  	_ =	shalt  }
0x85: {  	_ =	shalt  }
0x86: {  	_ =	shalt  }
0x87: {  	_ =	shalt  }
.Lfunc_end0:
.L_simem_size_0:
called_computation.1_lowered:
.L_overlay_start_0:
0x88: {  	s2 =	sld [smem:$0x3FD9]  }
0x89: {  	s3 =	sld [smem:$0x3FFE];
	_ =	sdelay $0x1  }
0x8a: {  	s1 =	srdreg.scid  }
0x8b: {  	s0 =	sand.u32 $0x1, s1  }
0x8c: {  	s17 =	sshll.u32 s0, $0xA;
	s2 =	sadd.s32 s3, s2  }
0x8d: {  	s2 =	sadd.s32 s2, s17  }
0x8e: {  	[smem:$0x3FC6] =	sst s2  }
0x8f: {  	_ = 	snop  }
0x90: {  	s2 =	sld [smem:$0x3FD0];
	(tm) =	ssettm $0x1  }
0x91: {  	s18 =	sld [smem:$0x3FFB];
	_ =	sdelay $0x3  }
0x92: {  	_ =	strace s18  }
0x93: {  	s3 =	sld [smem:$0x3FFC];
	_ =	sdelay $0x3  }
0x94: {  	_ =	strace s3  }
0x95: {  	s3 =	sld [smem:$0x3FFD];
	_ =	sdelay $0x3  }
0x96: {  	_ =	strace s3  }
0x97: {  	_ =	strace $0x8FFFFFFF  }
0x98: {  	s19 =	sld [smem:$0x3FDB];
	_ =	sdelay $0x1  }
0x99: {  	s4 =	simm.s32 $_scs_section_size  }
0x9a: {  	s5 =	simm.s32 $_size__tile_overlayer_lowered;
	s6 =	simm.s32 $_tile_overlayer_lowered  }
0x9b: {  	s22 =	simm.s32 $0x1BFF;
	s21 =	sshll.u32 s6, $0x1;
	s3 =	sadd.s32 s4, s19  }
0x9c: {  	s7 =	simm.s32 $0x0;
	s20 =	sshll.u32 s5, $0x1;
	s5 =	sadd.s32 s21, s3  }
0x9d: {  	[timem:s7], [sflag:s22] =	dma.local [hbm:s5], s20  }
0x9e: {  	_ =	swait.ge [sflag:s22], s20  }
0x9f: {  	s4 =	ssub.s32 $0x0, s20;
	[sflag:s22] =	ssyncset.done $0x0  }
0xa0: {  	[sflag:s22] =	ssyncadd.s32 s4;
	_ =	sdelay $0x1  }
0xa1: {  	s23 =	simm.s32 $0x1B8B  }
0xa2: {  	_ =	swait.ge [sflag:s23], $0x1  }
0xa3: {  	[sflag:s23] =	ssyncset.done $0x0  }
0xa4: {  	s25 =	simm.s32 $0x1B8E;
	s24 =	sld [smem:$0x3FFE];
	[sflag:s23] =	ssyncadd.s32 $0xFFFFFFFF  }
0xa5: {  	s26 =	simm.s32 $execute0_lowered;
	[smem:$0x3FD2] =	sst s25  }
0xa6: {  	s5 =	sshll.u32 s26, $0x1;
	_ =	strace $0x80000046;
	[dreg:$0x1] =	wrdreg $0xFFFFFFFF  }
0xa7: {  	s28 =	simm.s32 $_size_execute0_lowered;
	s3 =	sadd.s32 s3, s5;
	[dreg:$0x0] =	wrdreg $0x0  }
0xa8: {  	s5 =	sshll.u32 s28, $0x1;
	[dreg:$0x2] =	wrdreg s3  }
0xa9: {  	[dreg:$0x3] =	wrdreg s5  }
0xaa: {  	[dreg:$0x4] =	wrdreg $0xC0  }
0xab: {  	_ =	task [dreg:s7], $0x5FFFF  }
0xac: {  	[dreg:$0x1] =	wrdreg $0xFFFFFFFF  }
0xad: {  	[dreg:$0x0] =	wrdreg $0x60  }
0xae: {  	[dreg:$0x2] =	wrdreg s24  }
0xaf: {  	[dreg:$0x3] =	wrdreg s2  }
0xb0: {  	[dreg:$0x4] =	wrdreg $0x9  }
0xb1: {  	_ =	task.clear_ibuf [dreg:s7], $0x5FFFF;
	_ =	strace $0x90000046  }
0xb2: {  	s29 =	simm.s32 $0x9;
	_ =	strace $0x80000048  }
0xb3: {  	_ =	swait.ge [sflag:s29], $0x1  }
0xb4: {  	[sflag:s29] =	ssyncadd.s32 $0xFFFFFFFF  }
0xb5: {  	_ =	strace $0x90000048  }
0xb6: {  	_ =	sfence  }
0xb7: {  	s30 =	sld [smem:$0x0];
	_ =	sdelay $0x2  }
0xb8: {  	s31 =	sshll.u32 s1, $0xD;
	s1 =	sshrl.u32 s1, $0x2  }
0xb9: {  	s3 =	sand.u32 $0x4000, s31;
	s1 =	sadd.s32 s1, s30  }
0xba: {  	s0 =	sor.u32 s3, s0;
	s1 =	sshll.u32 s1, $0x11  }
0xbb: {  	s0 =	sor.u32 s1, s0  }
0xbc: {  	s0 =	sadd.s32 $0x8F2B, s0  }
0xbd: {  	[sflag:s0] =	ssyncadd.remote.s32 $0x1  }
0xbe: {  	_ =	sfence.sel $0xFFFF  }
0xbf: {  	[dreg:$0x0] =	wrdreg $0xFFFFFFFF;
	(pc) =	sbr.abs _section_cstart, $3  }
0xc0: {  	[dreg:$0x1] =	wrdreg $0xFFFFFFFF  }
0xc1: {  	_ =	task.clear_ibuf [dreg:s7], $0x2FFFF;
	_ =	strace $0x9FFFFFFF  }
0xc2: {  	(tm) =	ssettm $0x7FFFFFFF  }
0xc3: {  	_ =	shalt  }
tec
execute0_lowered:
.L_overlay_start_1:
0x0: {  	(tag) =	ssettag $0x1  }
0x1: {  	s0 =	srdreg.scid  }
0x2: {  	s2 =	stileid.u32;
	s1 =	rddreg [dreg:$0x0];
	s5 =	simm.s32 $0x0  }
0x3: {  	s9 =	simm.s32 $0xC8;
	s22 =	simm.s32 $0x6400;
	s21 =	simm.s32 $0x9600  }
0x4: {  	s23 =	simm.s32 $0x1;
	s24 =	simm.s32 $0x2;
	s25 =	simm.s32 $0x3  }
0x5: {  	s28 =	simm.s32 $0x5;
	s29 =	simm.s32 $0x6;
	s30 =	simm.s32 $0x7  }
0x6: {  	s31 =	simm.s32 $0x8;
	s7 =	simm.s32 $0xC;
	s8 =	simm.s32 $0xD  }
0x7: {  	s12 =	simm.s32 $0xE;
	s14 =	simm.s32 $0xF;
	s0 =	sand.u32 $0x1, s0  }
0x8: {  	s16 =	simm.s32 $0x10;
	s3 =	sshll.u32 s2, $0x8;
	s4 =	sshll.u32 s0, $0x7  }
0x9: {  	s2 =	rddreg [dreg:$0x1];
	s0 =	ssub.s32 $0x2, s0;
	s3 =	sor.u32 s4, s3  }
0xa: {  	[smem:$0x7FF] =	sst s5;
	s6 =	sshrl.u32 s0, $0x1;
	s4 =	smul.u32 $0x19, s3  }
0xb: {  	s5 =	sadd.s32 $0xF42E00, s1;
	_ =	strace $0x80000047;
	s0 =	ssub.s32 s0, s6  }
0xc: {  	s6 =	simm.s32 $0xB;
	s0 =	smax.u32 s0, $0x1;
	s4 =	sadd.s32 s4, s1  }
0xd: {  	[dreg:$0x4] =	wrdreg s0;
	s0 =	simm.s32 $0xA;
	s26 =	sadd.s32 $0xA00, s4  }
0xe: {  	s4 =	simm.s32 $0x0;
	[dreg:$0x3] =	wrdreg s26;
	s26 =	simm.s32 $0x4  }
.LBB2_1:
0xf: {  	[dreg:$0x5] =	wrdreg s4  }
0x10: {  	s1 =	simm.s32 $0x0;
	s19 =	rddreg [dreg:$0x3];
	s20 =	simm.s32 $0x11  }
0x11: {  	[tilespmem:s1], [sflag:$0x11] =	stream.linear.gather [hbm4b:s19+s1], $0x6400, $0x38;
	[tilespmem:$0x1F400] =	vst v63  }
0x12: {  	_ =	swait.ge [sflag:s20], $0x6400  }
0x13: {  	[sflag:s20] =	ssyncset.done $0x0  }
0x14: {  	[sflag:s20] =	ssyncadd.s32 $0xFFFF9C00;
	s20 =	simm.s32 $0x0  }
.LBB2_2:
0x15: {  	p0 =	sne.s32 s20, $0x0  }
.Ltmp0:
0x16: {  	_ = 	snop;
	(pc) =	sbr.rel @!p0 .LBB2_3-.Ltmp0, $2  }
0x17: {  	_ =	sdelay $0x2  }
0x18: {  	s19 =	sshll.u32 s20, $0x3  }
0x19: {  	s1 =	simm.s32 $0x9  }
0x1a: {  	s4 =	smul.u32 $0x1900, s20;
	_ =	swait.ge [sflag:s1], $0x3200  }
0x1b: {  	[sflag:s1] =	ssyncset.done $0x0  }
0x1c: {  	s17 =	sor.u32 $0x1, s19;
	s4 =	sshra.s32 s4, $0x2;
	[sflag:s1] =	ssyncadd.s32 $0xFFFFCE00  }
0x1d: {  	[tilespmem:s22], [sflag:$0x1] =	stream.indirect.gather [hbm4b:s5+s9], $0x40, s4, s9, $0xb8;
	[tilespmem:$0x1F400] =	vst v63  }
0x1e: {  	s11 =	smul.u32 $0x320, s17;
	_ =	swait.ge [sflag:s0], $0x3200  }
0x1f: {  	[sflag:s0] =	ssyncset.done $0x0  }
0x20: {  	s15 =	sor.u32 $0x2, s19;
	s4 =	sshra.s32 s11, $0x2;
	[sflag:s0] =	ssyncadd.s32 $0xFFFFCE00  }
0x21: {  	[tilespmem:s21], [sflag:$0x2] =	stream.indirect.gather [hbm4b:s5+s9], $0x40, s4, s9, $0xb8;
	[tilespmem:$0x1F400] =	vst v63  }
0x22: {  	s13 =	smul.u32 $0x320, s15;
	_ =	swait.ge [sflag:s6], $0x3200  }
0x23: {  	s18 =	simm.s32 $0xC800;
	[sflag:s6] =	ssyncset.done $0x0  }
0x24: {  	s4 =	sshra.s32 s13, $0x2;
	s13 =	sor.u32 $0x3, s19;
	[sflag:s6] =	ssyncadd.s32 $0xFFFFCE00  }
0x25: {  	[tilespmem:s18], [sflag:$0x3] =	stream.indirect.gather [hbm4b:s5+s9], $0x40, s4, s9, $0xb8;
	[tilespmem:$0x1F400] =	vst v63  }
0x26: {  	s21 =	smul.u32 $0x320, s13;
	_ =	swait.ge [sflag:s7], $0x3200  }
0x27: {  	s22 =	simm.s32 $0xFA00;
	[sflag:s7] =	ssyncset.done $0x0  }
0x28: {  	s11 =	sor.u32 $0x4, s19;
	s4 =	sshra.s32 s21, $0x2;
	[sflag:s7] =	ssyncadd.s32 $0xFFFFCE00  }
0x29: {  	[tilespmem:s22], [sflag:$0x4] =	stream.indirect.gather [hbm4b:s5+s9], $0x40, s4, s9, $0xb8;
	[tilespmem:$0x1F400] =	vst v63  }
0x2a: {  	s1 =	smul.u32 $0x320, s11;
	_ =	swait.ge [sflag:s8], $0x3200  }
0x2b: {  	[sflag:s8] =	ssyncset.done $0x0  }
0x2c: {  	s10 =	simm.s32 $0x12C00;
	s4 =	sshra.s32 s1, $0x2;
	[sflag:s8] =	ssyncadd.s32 $0xFFFFCE00  }
0x2d: {  	[tilespmem:s10], [sflag:$0x5] =	stream.indirect.gather [hbm4b:s5+s9], $0x40, s4, s9, $0xb8;
	[tilespmem:$0x1F400] =	vst v63  }
0x2e: {  	s10 =	sor.u32 $0x5, s19  }
0x2f: {  	_ =	swait.ge [sflag:s12], $0x3200;
	s18 =	smul.u32 $0x320, s10  }
0x30: {  	[sflag:s12] =	ssyncset.done $0x0  }
0x31: {  	s21 =	simm.s32 $0x15E00;
	[sflag:s12] =	ssyncadd.s32 $0xFFFFCE00;
	s4 =	sshra.s32 s18, $0x2  }
0x32: {  	[tilespmem:s21], [sflag:$0x6] =	stream.indirect.gather [hbm4b:s5+s9], $0x40, s4, s9, $0xb8;
	[tilespmem:$0x1F400] =	vst v63  }
0x33: {  	s4 =	sor.u32 $0x6, s19  }
0x34: {  	_ =	swait.ge [sflag:s14], $0x3200;
	s18 =	smul.u32 $0x320, s4  }
0x35: {  	s22 =	simm.s32 $0x19000;
	[sflag:s14] =	ssyncset.done $0x0  }
.Ltmp1:
0x36: {  	[sflag:s14] =	ssyncadd.s32 $0xFFFFCE00;
	s18 =	sshra.s32 s18, $0x2;
	(pc) =	sbr.rel .LBB2_5-.Ltmp1, $4  }
0x37: {  	[tilespmem:s22], [sflag:$0x7] =	stream.indirect.gather [hbm4b:s5+s9], $0x40, s18, s9, $0xb8;
	[tilespmem:$0x1F400] =	vst v63  }
0x38: {  	_ =	swait.ge [sflag:s16], $0x3200  }
0x39: {  	[sflag:s16] =	ssyncset.done $0x0  }
0x3a: {  	s18 =	sor.u32 $0x7, s19;
	[sflag:s16] =	ssyncadd.s32 $0xFFFFCE00  }
.LBB2_3:
0x3b: {  	s1 =	simm.s32 $0x0  }
0x3c: {  	[tilespmem:s22], [sflag:$0x1] =	stream.indirect.gather [hbm4b:s5+s9], $0x40, s1, s9, $0xb8;
	[tilespmem:$0x1F400] =	vst v63  }
0x3d: {  	s4 =	simm.s32 $0xC800;
	s10 =	simm.s32 $0x258  }
0x3e: {  	[tilespmem:s21], [sflag:$0x2] =	stream.indirect.gather [hbm4b:s5+s9], $0x40, s9, s9, $0xb8;
	[tilespmem:$0x1F400] =	vst v63  }
0x3f: {  	s11 =	simm.s32 $0xFA00;
	s13 =	simm.s32 $0x320;
	s22 =	simm.s32 $0x190  }
0x40: {  	[tilespmem:s4], [sflag:$0x3] =	stream.indirect.gather [hbm4b:s5+s9], $0x40, s22, s9, $0xb8;
	[tilespmem:$0x1F400] =	vst v63  }
0x41: {  	s15 =	simm.s32 $0x12C00;
	s17 =	simm.s32 $0x3E8;
	s18 =	simm.s32 $0x15E00  }
0x42: {  	[tilespmem:s11], [sflag:$0x4] =	stream.indirect.gather [hbm4b:s5+s9], $0x40, s10, s9, $0xb8;
	[tilespmem:$0x1F400] =	vst v63  }
0x43: {  	s21 =	simm.s32 $0x4B0;
	s22 =	simm.s32 $0x19000;
	s4 =	simm.s32 $0x6  }
0x44: {  	[tilespmem:s15], [sflag:$0x5] =	stream.indirect.gather [hbm4b:s5+s9], $0x40, s13, s9, $0xb8;
	[tilespmem:$0x1F400] =	vst v63  }
0x45: {  	s11 =	simm.s32 $0x4;
	s10 =	simm.s32 $0x5;
	s15 =	simm.s32 $0x2  }
0x46: {  	[tilespmem:s18], [sflag:$0x6] =	stream.indirect.gather [hbm4b:s5+s9], $0x40, s17, s9, $0xb8;
	[tilespmem:$0x1F400] =	vst v63  }
0x47: {  	s13 =	simm.s32 $0x3;
	s17 =	simm.s32 $0x1;
	s18 =	simm.s32 $0x7  }
0x48: {  	[tilespmem:s22], [sflag:$0x7] =	stream.indirect.gather [hbm4b:s5+s9], $0x40, s21, s9, $0xb8;
	[tilespmem:$0x1F400] =	vst v63  }
.LBB2_5:
0x49: {  	s21 =	smul.u32 $0x320, s18;
	_ =	sdelay $0x1  }
0x4a: {  	s1 =	simm.s32 $0x1C200;
	s21 =	sshra.s32 s21, $0x2  }
0x4b: {  	[tilespmem:s1], [sflag:$0x8] =	stream.indirect.gather [hbm4b:s5+s9], $0x40, s21, s9, $0xb8;
	[tilespmem:$0x1F400] =	vst v63  }
0x4c: {  	_ =	swait.ge [sflag:s23], $0x3200  }
0x4d: {  	[sflag:s23] =	ssyncset.done $0x0  }
0x4e: {  	s21 =	simm.s32 $0x0;
	[sflag:s23] =	ssyncadd.s32 $0xFFFFCE00  }
0x4f: {  	v0 =	vld [tilespmem:s21+$0x6400]  }
0x50: {  	v2 =	vld [tilespmem:s21+$0x6410]  }
0x51: {  	s22 =	simm.s32 $0x100;
	v1 =	vld [tilespmem:s21+$0x6420]  }
.LBB2_6:
0x52: {  	p0 =	sne.s32 s22, $0xC700;
	v3 =	vld [tilespmem:s21+$0x6430];
	_ =	sdelay $0x1  }
0x53: {  	v0 =	vmul.f32 $8.000000000e+00, v0  }
.Ltmp2:
0x54: {  	v2 =	vmul.f32 $8.000000000e+00, v2;
	(pc) =	sbr.rel @p0 .LBB2_6-.Ltmp2, $4  }
0x55: {  	s1 =	sshra.s32 s22, $0x2;
	[tilespmem:s21+$0x6400] =	vst v0;
	v1 =	vmul.f32 $8.000000000e+00, v1  }
0x56: {  	v0 =	vld [tilespmem:s1+$0x6400];
	[tilespmem:s21+$0x6410] =	vst v2;
	v3 =	vmul.f32 $8.000000000e+00, v3  }
0x57: {  	v2 =	vld [tilespmem:s1+$0x6410];
	[tilespmem:s21+$0x6420] =	vst v1  }
0x58: {  	s22 =	sadd.s32 $0x100, s22;
	v1 =	vld [tilespmem:s1+$0x6420];
	[tilespmem:s21+$0x6430] =	vst v3;
	s21 =	smov.u32 s1  }
0x59: {  	v3 =	vld [tilespmem:s21+$0x6430];
	_ =	sdelay $0x1  }
0x5a: {  	v0 =	vmul.f32 $8.000000000e+00, v0  }
0x5b: {  	v2 =	vmul.f32 $8.000000000e+00, v2  }
0x5c: {  	s1 =	sadd.s32 s3, s19;
	[tilespmem:s21+$0x6400] =	vst v0;
	v0 =	vmul.f32 $8.000000000e+00, v1  }
0x5d: {  	s1 =	smul.u32 $0x640, s1;
	[tilespmem:s21+$0x6410] =	vst v2;
	v1 =	vmul.f32 $8.000000000e+00, v3  }
0x5e: {  	[tilespmem:s21+$0x6420] =	vst v0  }
0x5f: {  	s22 =	simm.s32 $0x6400;
	s1 =	sadd.s32 s2, s1;
	[tilespmem:s21+$0x6430] =	vst v1;
	s21 =	simm.s32 $0x0  }
0x60: {  	[hbm4b:s1+s21] =	stream.linear.scatter [tilespmem:s22], [sflag:$0x9], $0x3200, $0x38;
	[tilespmem:$0x1F400] =	vst v63  }
0x61: {  	_ =	swait.ge [sflag:s24], $0x3200  }
0x62: {  	[sflag:s24] =	ssyncset.done $0x0  }
0x63: {  	s19 =	simm.s32 $0x0;
	[sflag:s24] =	ssyncadd.s32 $0xFFFFCE00  }
0x64: {  	v0 =	vld [tilespmem:s19+$0x9600]  }
0x65: {  	v2 =	vld [tilespmem:s19+$0x9610]  }
0x66: {  	s21 =	simm.s32 $0x100;
	v1 =	vld [tilespmem:s19+$0x9620]  }
.LBB2_8:
0x67: {  	p0 =	sne.s32 s21, $0xC700;
	v3 =	vld [tilespmem:s19+$0x9630];
	_ =	sdelay $0x1  }
0x68: {  	v0 =	vmul.f32 $8.000000000e+00, v0  }
.Ltmp3:
0x69: {  	v2 =	vmul.f32 $8.000000000e+00, v2;
	(pc) =	sbr.rel @p0 .LBB2_8-.Ltmp3, $4  }
0x6a: {  	s1 =	sshra.s32 s21, $0x2;
	[tilespmem:s19+$0x9600] =	vst v0;
	v1 =	vmul.f32 $8.000000000e+00, v1  }
0x6b: {  	v0 =	vld [tilespmem:s1+$0x9600];
	[tilespmem:s19+$0x9610] =	vst v2;
	v3 =	vmul.f32 $8.000000000e+00, v3  }
0x6c: {  	v2 =	vld [tilespmem:s1+$0x9610];
	[tilespmem:s19+$0x9620] =	vst v1  }
0x6d: {  	s21 =	sadd.s32 $0x100, s21;
	v1 =	vld [tilespmem:s1+$0x9620];
	[tilespmem:s19+$0x9630] =	vst v3;
	s19 =	smov.u32 s1  }
0x6e: {  	v3 =	vld [tilespmem:s19+$0x9630];
	_ =	sdelay $0x1  }
0x6f: {  	v0 =	vmul.f32 $8.000000000e+00, v0  }
0x70: {  	v2 =	vmul.f32 $8.000000000e+00, v2  }
0x71: {  	s1 =	sadd.s32 s3, s17;
	[tilespmem:s19+$0x9600] =	vst v0;
	v0 =	vmul.f32 $8.000000000e+00, v1  }
0x72: {  	s1 =	smul.u32 $0x640, s1;
	[tilespmem:s19+$0x9610] =	vst v2;
	v1 =	vmul.f32 $8.000000000e+00, v3  }
0x73: {  	[tilespmem:s19+$0x9620] =	vst v0  }
0x74: {  	s21 =	simm.s32 $0x9600;
	s1 =	sadd.s32 s2, s1;
	[tilespmem:s19+$0x9630] =	vst v1;
	s19 =	simm.s32 $0x0  }
0x75: {  	[hbm4b:s1+s19] =	stream.linear.scatter [tilespmem:s21], [sflag:$0xA], $0x3200, $0x38;
	[tilespmem:$0x1F400] =	vst v63  }
0x76: {  	_ =	swait.ge [sflag:s25], $0x3200  }
0x77: {  	[sflag:s25] =	ssyncset.done $0x0  }
0x78: {  	s17 =	simm.s32 $0x0;
	[sflag:s25] =	ssyncadd.s32 $0xFFFFCE00  }
0x79: {  	v0 =	vld [tilespmem:s17+$0xC800]  }
0x7a: {  	v2 =	vld [tilespmem:s17+$0xC810]  }
0x7b: {  	s19 =	simm.s32 $0x100;
	v1 =	vld [tilespmem:s17+$0xC820]  }
.LBB2_10:
0x7c: {  	p0 =	sne.s32 s19, $0xC700;
	v3 =	vld [tilespmem:s17+$0xC830];
	_ =	sdelay $0x1  }
0x7d: {  	v0 =	vmul.f32 $8.000000000e+00, v0  }
.Ltmp4:
0x7e: {  	v2 =	vmul.f32 $8.000000000e+00, v2;
	(pc) =	sbr.rel @p0 .LBB2_10-.Ltmp4, $4  }
0x7f: {  	s1 =	sshra.s32 s19, $0x2;
	[tilespmem:s17+$0xC800] =	vst v0;
	v1 =	vmul.f32 $8.000000000e+00, v1  }
0x80: {  	v0 =	vld [tilespmem:s1+$0xC800];
	[tilespmem:s17+$0xC810] =	vst v2;
	v3 =	vmul.f32 $8.000000000e+00, v3  }
0x81: {  	v2 =	vld [tilespmem:s1+$0xC810];
	[tilespmem:s17+$0xC820] =	vst v1  }
0x82: {  	s19 =	sadd.s32 $0x100, s19;
	v1 =	vld [tilespmem:s1+$0xC820];
	[tilespmem:s17+$0xC830] =	vst v3;
	s17 =	smov.u32 s1  }
0x83: {  	v3 =	vld [tilespmem:s17+$0xC830];
	_ =	sdelay $0x1  }
0x84: {  	v0 =	vmul.f32 $8.000000000e+00, v0  }
0x85: {  	v2 =	vmul.f32 $8.000000000e+00, v2  }
0x86: {  	s1 =	sadd.s32 s3, s15;
	[tilespmem:s17+$0xC800] =	vst v0;
	v0 =	vmul.f32 $8.000000000e+00, v1  }
0x87: {  	s1 =	smul.u32 $0x640, s1;
	[tilespmem:s17+$0xC810] =	vst v2;
	v1 =	vmul.f32 $8.000000000e+00, v3  }
0x88: {  	[tilespmem:s17+$0xC820] =	vst v0  }
0x89: {  	s19 =	simm.s32 $0xC800;
	s1 =	sadd.s32 s2, s1;
	[tilespmem:s17+$0xC830] =	vst v1;
	s17 =	simm.s32 $0x0  }
0x8a: {  	[hbm4b:s1+s17] =	stream.linear.scatter [tilespmem:s19], [sflag:$0xB], $0x3200, $0x38;
	[tilespmem:$0x1F400] =	vst v63  }
0x8b: {  	_ =	swait.ge [sflag:s26], $0x3200  }
0x8c: {  	[sflag:s26] =	ssyncset.done $0x0  }
0x8d: {  	s15 =	simm.s32 $0x0;
	[sflag:s26] =	ssyncadd.s32 $0xFFFFCE00  }
0x8e: {  	v0 =	vld [tilespmem:s15+$0xFA00]  }
0x8f: {  	v2 =	vld [tilespmem:s15+$0xFA10]  }
0x90: {  	s17 =	simm.s32 $0x100;
	v1 =	vld [tilespmem:s15+$0xFA20]  }
.LBB2_12:
0x91: {  	p0 =	sne.s32 s17, $0xC700;
	v3 =	vld [tilespmem:s15+$0xFA30];
	_ =	sdelay $0x1  }
0x92: {  	v0 =	vmul.f32 $8.000000000e+00, v0  }
.Ltmp5:
0x93: {  	v2 =	vmul.f32 $8.000000000e+00, v2;
	(pc) =	sbr.rel @p0 .LBB2_12-.Ltmp5, $4  }
0x94: {  	s1 =	sshra.s32 s17, $0x2;
	[tilespmem:s15+$0xFA00] =	vst v0;
	v1 =	vmul.f32 $8.000000000e+00, v1  }
0x95: {  	v0 =	vld [tilespmem:s1+$0xFA00];
	[tilespmem:s15+$0xFA10] =	vst v2;
	v3 =	vmul.f32 $8.000000000e+00, v3  }
0x96: {  	v2 =	vld [tilespmem:s1+$0xFA10];
	[tilespmem:s15+$0xFA20] =	vst v1  }
0x97: {  	s17 =	sadd.s32 $0x100, s17;
	v1 =	vld [tilespmem:s1+$0xFA20];
	[tilespmem:s15+$0xFA30] =	vst v3;
	s15 =	smov.u32 s1  }
0x98: {  	v3 =	vld [tilespmem:s15+$0xFA30];
	_ =	sdelay $0x1  }
0x99: {  	v0 =	vmul.f32 $8.000000000e+00, v0  }
0x9a: {  	v2 =	vmul.f32 $8.000000000e+00, v2  }
0x9b: {  	s1 =	sadd.s32 s3, s13;
	[tilespmem:s15+$0xFA00] =	vst v0;
	v0 =	vmul.f32 $8.000000000e+00, v1  }
0x9c: {  	s1 =	smul.u32 $0x640, s1;
	[tilespmem:s15+$0xFA10] =	vst v2;
	v1 =	vmul.f32 $8.000000000e+00, v3  }
0x9d: {  	[tilespmem:s15+$0xFA20] =	vst v0  }
0x9e: {  	s17 =	simm.s32 $0x0;
	s19 =	simm.s32 $0xFA00;
	s1 =	sadd.s32 s2, s1;
	[tilespmem:s15+$0xFA30] =	vst v1  }
0x9f: {  	[hbm4b:s1+s17] =	stream.linear.scatter [tilespmem:s19], [sflag:$0xC], $0x3200, $0x38;
	[tilespmem:$0x1F400] =	vst v63  }
0xa0: {  	_ =	swait.ge [sflag:s28], $0x3200  }
0xa1: {  	[sflag:s28] =	ssyncset.done $0x0  }
0xa2: {  	s13 =	simm.s32 $0x0;
	[sflag:s28] =	ssyncadd.s32 $0xFFFFCE00  }
0xa3: {  	v0 =	vld [tilespmem:s13+$0x12C00]  }
0xa4: {  	v2 =	vld [tilespmem:s13+$0x12C10]  }
0xa5: {  	s15 =	simm.s32 $0x100;
	v1 =	vld [tilespmem:s13+$0x12C20]  }
.LBB2_14:
0xa6: {  	p0 =	sne.s32 s15, $0xC700;
	v3 =	vld [tilespmem:s13+$0x12C30];
	_ =	sdelay $0x1  }
0xa7: {  	v0 =	vmul.f32 $8.000000000e+00, v0  }
.Ltmp6:
0xa8: {  	v2 =	vmul.f32 $8.000000000e+00, v2;
	(pc) =	sbr.rel @p0 .LBB2_14-.Ltmp6, $4  }
0xa9: {  	s1 =	sshra.s32 s15, $0x2;
	[tilespmem:s13+$0x12C00] =	vst v0;
	v1 =	vmul.f32 $8.000000000e+00, v1  }
0xaa: {  	v0 =	vld [tilespmem:s1+$0x12C00];
	[tilespmem:s13+$0x12C10] =	vst v2;
	v3 =	vmul.f32 $8.000000000e+00, v3  }
0xab: {  	v2 =	vld [tilespmem:s1+$0x12C10];
	[tilespmem:s13+$0x12C20] =	vst v1  }
0xac: {  	s15 =	sadd.s32 $0x100, s15;
	v1 =	vld [tilespmem:s1+$0x12C20];
	[tilespmem:s13+$0x12C30] =	vst v3;
	s13 =	smov.u32 s1  }
0xad: {  	v3 =	vld [tilespmem:s13+$0x12C30];
	_ =	sdelay $0x1  }
0xae: {  	v0 =	vmul.f32 $8.000000000e+00, v0  }
0xaf: {  	v2 =	vmul.f32 $8.000000000e+00, v2  }
0xb0: {  	s1 =	sadd.s32 s3, s11;
	[tilespmem:s13+$0x12C00] =	vst v0;
	v0 =	vmul.f32 $8.000000000e+00, v1  }
0xb1: {  	s1 =	smul.u32 $0x640, s1;
	[tilespmem:s13+$0x12C10] =	vst v2;
	v1 =	vmul.f32 $8.000000000e+00, v3  }
0xb2: {  	[tilespmem:s13+$0x12C20] =	vst v0  }
0xb3: {  	s17 =	simm.s32 $0x0;
	s19 =	simm.s32 $0x12C00;
	s1 =	sadd.s32 s2, s1;
	[tilespmem:s13+$0x12C30] =	vst v1  }
0xb4: {  	[hbm4b:s1+s17] =	stream.linear.scatter [tilespmem:s19], [sflag:$0xD], $0x3200, $0x38;
	[tilespmem:$0x1F400] =	vst v63  }
0xb5: {  	_ =	swait.ge [sflag:s29], $0x3200  }
0xb6: {  	[sflag:s29] =	ssyncset.done $0x0  }
0xb7: {  	s11 =	simm.s32 $0x0;
	[sflag:s29] =	ssyncadd.s32 $0xFFFFCE00  }
0xb8: {  	v0 =	vld [tilespmem:s11+$0x15E00]  }
0xb9: {  	v2 =	vld [tilespmem:s11+$0x15E10]  }
0xba: {  	s13 =	simm.s32 $0x100;
	v1 =	vld [tilespmem:s11+$0x15E20]  }
.LBB2_16:
0xbb: {  	p0 =	sne.s32 s13, $0xC700;
	v3 =	vld [tilespmem:s11+$0x15E30];
	_ =	sdelay $0x1  }
0xbc: {  	v0 =	vmul.f32 $8.000000000e+00, v0  }
.Ltmp7:
0xbd: {  	v2 =	vmul.f32 $8.000000000e+00, v2;
	(pc) =	sbr.rel @p0 .LBB2_16-.Ltmp7, $4  }
0xbe: {  	s1 =	sshra.s32 s13, $0x2;
	[tilespmem:s11+$0x15E00] =	vst v0;
	v1 =	vmul.f32 $8.000000000e+00, v1  }
0xbf: {  	v0 =	vld [tilespmem:s1+$0x15E00];
	[tilespmem:s11+$0x15E10] =	vst v2;
	v3 =	vmul.f32 $8.000000000e+00, v3  }
0xc0: {  	v2 =	vld [tilespmem:s1+$0x15E10];
	[tilespmem:s11+$0x15E20] =	vst v1  }
0xc1: {  	s13 =	sadd.s32 $0x100, s13;
	v1 =	vld [tilespmem:s1+$0x15E20];
	[tilespmem:s11+$0x15E30] =	vst v3;
	s11 =	smov.u32 s1  }
0xc2: {  	v3 =	vld [tilespmem:s11+$0x15E30];
	_ =	sdelay $0x1  }
0xc3: {  	v0 =	vmul.f32 $8.000000000e+00, v0  }
0xc4: {  	v2 =	vmul.f32 $8.000000000e+00, v2  }
0xc5: {  	s1 =	sadd.s32 s3, s10;
	[tilespmem:s11+$0x15E00] =	vst v0;
	v0 =	vmul.f32 $8.000000000e+00, v1  }
0xc6: {  	s1 =	smul.u32 $0x640, s1;
	[tilespmem:s11+$0x15E10] =	vst v2;
	v1 =	vmul.f32 $8.000000000e+00, v3  }
0xc7: {  	[tilespmem:s11+$0x15E20] =	vst v0  }
0xc8: {  	s17 =	simm.s32 $0x0;
	s19 =	simm.s32 $0x15E00;
	s1 =	sadd.s32 s2, s1;
	[tilespmem:s11+$0x15E30] =	vst v1  }
0xc9: {  	[hbm4b:s1+s17] =	stream.linear.scatter [tilespmem:s19], [sflag:$0xE], $0x3200, $0x38;
	[tilespmem:$0x1F400] =	vst v63  }
0xca: {  	_ =	swait.ge [sflag:s30], $0x3200  }
0xcb: {  	[sflag:s30] =	ssyncset.done $0x0  }
0xcc: {  	s10 =	simm.s32 $0x0;
	[sflag:s30] =	ssyncadd.s32 $0xFFFFCE00  }
0xcd: {  	v0 =	vld [tilespmem:s10+$0x19000]  }
0xce: {  	v2 =	vld [tilespmem:s10+$0x19010]  }
0xcf: {  	s11 =	simm.s32 $0x100;
	v1 =	vld [tilespmem:s10+$0x19020]  }
.LBB2_18:
0xd0: {  	p0 =	sne.s32 s11, $0xC700;
	v3 =	vld [tilespmem:s10+$0x19030];
	_ =	sdelay $0x1  }
0xd1: {  	v0 =	vmul.f32 $8.000000000e+00, v0  }
.Ltmp8:
0xd2: {  	v2 =	vmul.f32 $8.000000000e+00, v2;
	(pc) =	sbr.rel @p0 .LBB2_18-.Ltmp8, $4  }
0xd3: {  	s1 =	sshra.s32 s11, $0x2;
	[tilespmem:s10+$0x19000] =	vst v0;
	v1 =	vmul.f32 $8.000000000e+00, v1  }
0xd4: {  	v0 =	vld [tilespmem:s1+$0x19000];
	[tilespmem:s10+$0x19010] =	vst v2;
	v3 =	vmul.f32 $8.000000000e+00, v3  }
0xd5: {  	v2 =	vld [tilespmem:s1+$0x19010];
	[tilespmem:s10+$0x19020] =	vst v1  }
0xd6: {  	s11 =	sadd.s32 $0x100, s11;
	v1 =	vld [tilespmem:s1+$0x19020];
	[tilespmem:s10+$0x19030] =	vst v3;
	s10 =	smov.u32 s1  }
0xd7: {  	v3 =	vld [tilespmem:s10+$0x19030];
	_ =	sdelay $0x1  }
0xd8: {  	v0 =	vmul.f32 $8.000000000e+00, v0  }
0xd9: {  	v2 =	vmul.f32 $8.000000000e+00, v2  }
0xda: {  	s1 =	sadd.s32 s3, s4;
	[tilespmem:s10+$0x19000] =	vst v0;
	v0 =	vmul.f32 $8.000000000e+00, v1  }
0xdb: {  	s1 =	smul.u32 $0x640, s1;
	[tilespmem:s10+$0x19010] =	vst v2;
	v1 =	vmul.f32 $8.000000000e+00, v3  }
0xdc: {  	[tilespmem:s10+$0x19020] =	vst v0  }
0xdd: {  	s17 =	simm.s32 $0x0;
	s19 =	simm.s32 $0x19000;
	s1 =	sadd.s32 s2, s1;
	[tilespmem:s10+$0x19030] =	vst v1  }
0xde: {  	[hbm4b:s1+s17] =	stream.linear.scatter [tilespmem:s19], [sflag:$0xF], $0x3200, $0x38;
	[tilespmem:$0x1F400] =	vst v63  }
0xdf: {  	_ =	swait.ge [sflag:s31], $0x3200  }
0xe0: {  	[sflag:s31] =	ssyncset.done $0x0  }
0xe1: {  	s4 =	simm.s32 $0x0;
	[sflag:s31] =	ssyncadd.s32 $0xFFFFCE00  }
0xe2: {  	v0 =	vld [tilespmem:s4+$0x1C200]  }
0xe3: {  	v2 =	vld [tilespmem:s4+$0x1C210]  }
0xe4: {  	s10 =	simm.s32 $0x100;
	v1 =	vld [tilespmem:s4+$0x1C220]  }
.LBB2_20:
0xe5: {  	p0 =	sne.s32 s10, $0xC700;
	v3 =	vld [tilespmem:s4+$0x1C230];
	_ =	sdelay $0x1  }
0xe6: {  	v0 =	vmul.f32 $8.000000000e+00, v0  }
.Ltmp9:
0xe7: {  	v2 =	vmul.f32 $8.000000000e+00, v2;
	(pc) =	sbr.rel @p0 .LBB2_20-.Ltmp9, $4  }
0xe8: {  	s1 =	sshra.s32 s10, $0x2;
	[tilespmem:s4+$0x1C200] =	vst v0;
	v1 =	vmul.f32 $8.000000000e+00, v1  }
0xe9: {  	v0 =	vld [tilespmem:s1+$0x1C200];
	[tilespmem:s4+$0x1C210] =	vst v2;
	v3 =	vmul.f32 $8.000000000e+00, v3  }
0xea: {  	v2 =	vld [tilespmem:s1+$0x1C210];
	[tilespmem:s4+$0x1C220] =	vst v1  }
0xeb: {  	s10 =	sadd.s32 $0x100, s10;
	v1 =	vld [tilespmem:s1+$0x1C220];
	[tilespmem:s4+$0x1C230] =	vst v3;
	s4 =	smov.u32 s1  }
0xec: {  	v3 =	vld [tilespmem:s4+$0x1C230];
	_ =	sdelay $0x1  }
0xed: {  	s20 =	sadd.s32 $0x1, s20;
	v0 =	vmul.f32 $8.000000000e+00, v0  }
0xee: {  	p0 =	sne.s32 s20, $0x10;
	v2 =	vmul.f32 $8.000000000e+00, v2  }
.Ltmp10:
0xef: {  	s1 =	sadd.s32 s3, s18;
	[tilespmem:s4+$0x1C200] =	vst v0;
	v62 =	vmul.f32 $8.000000000e+00, v1;
	(pc) =	sbr.rel @p0 .LBB2_2-.Ltmp10, $4  }
0xf0: {  	s1 =	smul.u32 $0x640, s1;
	[tilespmem:s4+$0x1C210] =	vst v2;
	v63 =	vmul.f32 $8.000000000e+00, v3  }
0xf1: {  	[tilespmem:s4+$0x1C220] =	vst v62  }
0xf2: {  	s19 =	simm.s32 $0x0;
	s10 =	simm.s32 $0x1C200;
	s1 =	sadd.s32 s2, s1;
	[tilespmem:s4+$0x1C230] =	vst v63  }
0xf3: {  	[hbm4b:s1+s19] =	stream.linear.scatter [tilespmem:s10], [sflag:$0x10], $0x3200, $0x38;
	[tilespmem:$0x1F400] =	vst v63  }
0xf4: {  	s1 =	simm.s32 $0x9  }
0xf5: {  	_ =	swait.ge [sflag:s1], $0x3200  }
0xf6: {  	[sflag:s1] =	ssyncset.done $0x0  }
0xf7: {  	[sflag:s1] =	ssyncadd.s32 $0xFFFFCE00  }
0xf8: {  	_ =	swait.ge [sflag:s0], $0x3200  }
0xf9: {  	[sflag:s0] =	ssyncset.done $0x0  }
0xfa: {  	[sflag:s0] =	ssyncadd.s32 $0xFFFFCE00  }
0xfb: {  	_ =	swait.ge [sflag:s6], $0x3200  }
0xfc: {  	[sflag:s6] =	ssyncset.done $0x0  }
0xfd: {  	[sflag:s6] =	ssyncadd.s32 $0xFFFFCE00  }
0xfe: {  	_ =	swait.ge [sflag:s7], $0x3200  }
0xff: {  	[sflag:s7] =	ssyncset.done $0x0  }
0x100: {  	[sflag:s7] =	ssyncadd.s32 $0xFFFFCE00  }
0x101: {  	_ =	swait.ge [sflag:s8], $0x3200  }
0x102: {  	[sflag:s8] =	ssyncset.done $0x0  }
0x103: {  	[sflag:s8] =	ssyncadd.s32 $0xFFFFCE00  }
0x104: {  	_ =	swait.ge [sflag:s12], $0x3200  }
0x105: {  	[sflag:s12] =	ssyncset.done $0x0  }
0x106: {  	[sflag:s12] =	ssyncadd.s32 $0xFFFFCE00  }
0x107: {  	_ =	swait.ge [sflag:s14], $0x3200  }
0x108: {  	[sflag:s14] =	ssyncset.done $0x0  }
0x109: {  	[sflag:s14] =	ssyncadd.s32 $0xFFFFCE00  }
0x10a: {  	_ =	swait.ge [sflag:s16], $0x3200  }
0x10b: {  	s4 =	rddreg [dreg:$0x5]  }
0x10c: {  	s20 =	rddreg [dreg:$0x4];
	s4 =	sadd.s32 $0x1, s4  }
0x10d: {  	p0 =	sne.s32 s4, s20  }
.Ltmp11:
0x10e: {  	_ = 	snop;
	(pc) =	sbr.rel @p0 .LBB2_1-.Ltmp11, $3  }
0x10f: {  	_ =	sdelay $0x1  }
0x110: {  	[sflag:s16] =	ssyncset.done $0x0  }
0x111: {  	[sflag:s16] =	ssyncadd.s32 $0xFFFFCE00  }
0x112: {  	_ =	sfence.sel $0x180000  }
0x113: {  	[bflag:$0x0] =	sbarrier.arrive $0xFFFF  }
0x114: {  	_ =	strace $0x90000047  }
0x115: {  	s0 =	stileid.u32;
	[bflag:$0x2] =	sbarrier.arrive $0xFFFF  }
0x116: {  	p0 =	sne.s32 s0, $0x0;
	s0 =	rddreg [dreg:$0x2]  }
0x117: {  	s0 =	sadd.s32 @!p0 $0x100000, s0  }
0x118: {  	[sflag:s0] =	ssyncadd.tile.s32 @!p0 $0x1;
	_ =	shalt  }
.Lfunc_end2:
_tile_overlayer_lowered:
.L_overlay_start_2:
0x119: {  	(tag) =	ssettag $0x2  }
0x11a: {  	s0 =	rddreg [dreg:$0x0];
	s2 =	stileid.u32  }
0x11b: {  	s1 =	rddreg [dreg:$0x1];
	p0 =	sne.s32 s2, $0x0  }
0x11c: {  	s3 =	rddreg [dreg:$0x2];
	[bflag:$0x3] =	sbarrier.arrive $0xFFFF;
	s2 =	simm.s32 @!p0 $0x1C11  }
0x11d: {  	[timem:s3], [sflag:s2] =	dma.local @!p0 [hbm:s0], s1  }
0x11e: {  	s0 =	simm.s32 @!p0 $0x11  }
0x11f: {  	_ =	swait.ge @!p0 [sflag:s0], s1  }
0x120: {  	s1 =	ssub.s32 @!p0 $0x0, s1;
	[sflag:s0] =	ssyncset.done @!p0 $0x0  }
0x121: {  	[sflag:s0] =	ssyncadd.s32 @!p0 s1  }
0x122: {  	[bflag:$0x3] =	sbarrier.arrive $0xFFFF  }
0x123: {  	_ =	shalt  }

// kernel: sparse-core-data-format-call.cloned.1.call-start
scs
called_computation_lowered:
.L_overlay_start_0:
0x0: {  	s2 =	sld [smem:$0x3FD9]  }
0x1: {  	s3 =	sld [smem:$0x3FFE];
	_ =	sdelay $0x1  }
0x2: {  	s1 =	srdreg.scid  }
0x3: {  	s0 =	sand.u32 $0x1, s1  }
0x4: {  	s18 =	sshll.u32 s0, $0xA;
	s2 =	sadd.s32 s3, s2  }
0x5: {  	s2 =	sadd.s32 s2, s18  }
0x6: {  	[smem:$0x3FC6] =	sst s2  }
0x7: {  	_ = 	snop  }
0x8: {  	s2 =	sld [smem:$0x3FD0];
	(tm) =	ssettm $0x1  }
0x9: {  	s19 =	sld [smem:$0x3FFB];
	_ =	sdelay $0x3  }
0xa: {  	_ =	strace s19  }
0xb: {  	s3 =	sld [smem:$0x3FFC];
	_ =	sdelay $0x3  }
0xc: {  	_ =	strace s3  }
0xd: {  	s3 =	sld [smem:$0x3FFD];
	_ =	sdelay $0x3  }
0xe: {  	_ =	strace s3  }
0xf: {  	_ =	strace $0x8FFFFFFF  }
0x10: {  	s20 =	sld [smem:$0x3FDB];
	_ =	sdelay $0x1  }
0x11: {  	s4 =	simm.s32 $_scs_section_size  }
0x12: {  	s5 =	simm.s32 $_size__tile_overlayer_lowered;
	s6 =	simm.s32 $_tile_overlayer_lowered  }
0x13: {  	s23 =	simm.s32 $0x1BFF;
	s22 =	sshll.u32 s6, $0x1;
	s3 =	sadd.s32 s4, s20  }
0x14: {  	s7 =	simm.s32 $0x0;
	s21 =	sshll.u32 s5, $0x1;
	s5 =	sadd.s32 s22, s3  }
0x15: {  	[timem:s7], [sflag:s23] =	dma.local [hbm:s5], s21  }
0x16: {  	_ =	swait.ge [sflag:s23], s21  }
0x17: {  	s4 =	ssub.s32 $0x0, s21;
	[sflag:s23] =	ssyncset.done $0x0  }
0x18: {  	[sflag:s23] =	ssyncadd.s32 s4;
	_ =	sdelay $0x1  }
0x19: {  	s24 =	simm.s32 $0x1B8B  }
0x1a: {  	_ =	swait.ge [sflag:s24], $0x1  }
0x1b: {  	[sflag:s24] =	ssyncset.done $0x0  }
0x1c: {  	s26 =	simm.s32 $0x1B8E;
	s25 =	sld [smem:$0x3FFE];
	[sflag:s24] =	ssyncadd.s32 $0xFFFFFFFF  }
0x1d: {  	s27 =	simm.s32 $execute0_lowered;
	[smem:$0x3FD2] =	sst s26  }
0x1e: {  	s5 =	sshll.u32 s27, $0x1;
	_ =	strace $0x80000049;
	[dreg:$0x1] =	wrdreg $0xFFFFFFFF  }
0x1f: {  	s28 =	simm.s32 $_size_execute0_lowered;
	s3 =	sadd.s32 s3, s5;
	[dreg:$0x0] =	wrdreg $0x0  }
0x20: {  	s5 =	sshll.u32 s28, $0x1;
	[dreg:$0x2] =	wrdreg s3  }
0x21: {  	[dreg:$0x3] =	wrdreg s5  }
0x22: {  	[dreg:$0x4] =	wrdreg $0xC0  }
0x23: {  	_ =	task [dreg:s7], $0x5FFFF  }
0x24: {  	[dreg:$0x1] =	wrdreg $0xFFFFFFFF  }
0x25: {  	[dreg:$0x0] =	wrdreg $0x60  }
0x26: {  	[dreg:$0x2] =	wrdreg s25  }
0x27: {  	[dreg:$0x3] =	wrdreg s2  }
0x28: {  	[dreg:$0x4] =	wrdreg $0x9  }
0x29: {  	_ =	task.clear_ibuf [dreg:s7], $0x5FFFF;
	_ =	strace $0x90000049  }
0x2a: {  	s29 =	simm.s32 $0x9;
	_ =	strace $0x8000004B  }
0x2b: {  	_ =	swait.ge [sflag:s29], $0x1  }
0x2c: {  	[sflag:s29] =	ssyncadd.s32 $0xFFFFFFFF  }
0x2d: {  	_ =	strace $0x9000004B  }
0x2e: {  	_ =	sfence  }
0x2f: {  	s30 =	sld [smem:$0x0];
	_ =	sdelay $0x2  }
0x30: {  	s31 =	sshll.u32 s1, $0xD;
	s1 =	sshrl.u32 s1, $0x2  }
0x31: {  	s3 =	sand.u32 $0x4000, s31;
	s1 =	sadd.s32 s1, s30  }
0x32: {  	s0 =	sor.u32 s3, s0;
	s1 =	sshll.u32 s1, $0x11  }
0x33: {  	s0 =	sor.u32 s1, s0  }
0x34: {  	s0 =	sadd.s32 $0x8F2B, s0  }
0x35: {  	[sflag:s0] =	ssyncadd.remote.s32 $0x1  }
0x36: {  	_ =	sfence.sel $0xFFFF  }
0x37: {  	[dreg:$0x0] =	wrdreg $0xFFFFFFFF;
	(pc) =	sbr.abs _section_cstart, $3  }
0x38: {  	[dreg:$0x1] =	wrdreg $0xFFFFFFFF  }
0x39: {  	_ =	task.clear_ibuf [dreg:s7], $0x2FFFF;
	_ =	strace $0x9FFFFFFF  }
0x3a: {  	(tm) =	ssettm $0x7FFFFFFF  }
0x3b: {  	_ =	shalt  }
tec
execute0_lowered:
.L_overlay_start_1:
0x0: {  	(tag) =	ssettag $0x1  }
0x1: {  	s0 =	srdreg.scid  }
0x2: {  	s1 =	sshll.u32 s0, $0x4  }
0x3: {  	s0 =	stileid.u32;
	s1 =	sand.u32 $0x10, s1  }
0x4: {  	s1 =	sor.u32 s0, s1  }
0x5: {  	s6 =	rddreg [dreg:$0x0];
	s4 =	simm.s32 $0x1;
	s2 =	sshll.u32 s1, $0x7  }
0x6: {  	s7 =	simm.s32 $0x2;
	s12 =	simm.s32 $0x0;
	s1 =	ssub.s32 $0x1000, s2  }
0x7: {  	s8 =	simm.s32 $0x8000;
	s13 =	simm.s32 $0x0;
	s3 =	sand.u32 $0xF80, s1  }
0x8: {  	s9 =	simm.s32 $0x0;
	s5 =	sshrl.u32 s1, $0xC;
	p0 =	sne.s32 s3, $0x0  }
.Ltmp0:
0x9: {  	s1 =	rddreg [dreg:$0x2];
	s4 =	simm.s32 @!p0 $0x0;
	(pc) =	sbr.rel .LBB1_1-.Ltmp0, $4  }
0xa: {  	s11 =	simm.s32 $0x0;
	s3 =	rddreg [dreg:$0x1];
	s5 =	sadd.s32 s4, s5  }
0xb: {  	_ =	strace $0x8000004A;
	s4 =	simm.s32 $0x1;
	s5 =	smul.u32 $0xC8, s5  }
0xc: {  	s6 =	sadd.s32 $0xA00, s6;
	s10 =	smov.u32 s2;
	[sflag:s4] =	ssyncpa.u1 $0x0  }
0xd: {  	p0 =	por $0x0, $0x0;
	[sflag:s7] =	ssyncpa.u1 $0x0;
	s7 =	sor.u32 $0x1, s5  }
.LBB1_4:
0xe: {  	s16 =	sshll.u32 s13, $0x3;
	s17 =	sand.u32 $0x78, s13  }
0xf: {  	s30 =	sand.u32 $0x7E00, s13;
	s12 =	sshll.u32 s12, $0xF;
	s16 =	sand.u32 $0xC00, s16  }
0x10: {  	[tilespmem:s15+$0x810 ss:$0x81] =	vst.msk $0xffff, v2;
	s31 =	sand.u32 $0x7, s13;
	s16 =	sor.u32 s17, s16;
	s17 =	sadd.s32 s3, s30  }
0x11: {  	[tilespmem:s15+$0x1020 ss:$0x81] =	vst.msk $0xffff, v0;
	s13 =	sshll.u32 s31, $0x12;
	s12 =	sadd.s32 s12, s17;
	s16 =	sshrl.u32 s16, $0x3  }
0x12: {  	[tilespmem:s15+$0x0 ss:$0x81] =	vst.msk $0xffff, v1;
	s13 =	sor.u32 $0x400, s13;
	s12 =	sadd.s32 s16, s12  }
0x13: {  	[hbm4b:s12+s13] =	stream.strided.scatter [tilespmem:s14], [sflag:$0x2], $0x2000, s8, s13, $0x20;
	[tilespmem:$0x8080] =	vst v63  }
.LBB1_5:
0x14: {  	s14 =	sadd.s32 $0x1, s9  }
0x15: {  	s12 =	sadd.s32 $0x1000, s10;
	s16 =	smov.u32 s10;
	p2 =	sgt.s32 s14, $0xC7  }
0x16: {  	s16 =	smov.u32 @p2 s12  }
0x17: {  	s14 =	simm.s32 @p2 $0x0;
	p2 =	sgt.s32 s16, $0xFFF  }
0x18: {  	s16 =	smov.u32 @p2 s2;
	p2 =	sne.s32 s11, s7  }
.Ltmp1:
0x19: {  	p1 =	slt.u32 s11, $0x2;
	(pc) =	sbr.rel @!p2 .LBB1_6-.Ltmp1, $4  }
0x1a: {  	s15 =	simm.s32 @!p1 $0x2  }
0x1b: {  	s13 =	smov.u32 s10;
	p0 =	por !p0, !p0;
	_ =	swait.ge @!p1 [sflag:s15], $0x2000  }
0x1c: {  	s12 =	smov.u32 s9;
	[sflag:s15] =	ssyncset.done @!p1 $0x0;
	s9 =	smov.u32 s14  }
0x1d: {  	s11 =	sadd.s32 $0x1, s11;
	[sflag:s15] =	ssyncadd.s32 @!p1 $0xFFFFE000;
	s10 =	smov.u32 s16  }
.LBB1_1:
0x1e: {  	p1 =	sge.u32 s11, s5  }
0x1f: {  	s14 =	sand.u32 @!p1 $0x1FFFFFF, s9  }
0x20: {  	s15 =	smulhi.u32 @!p1 $0x147AE15, s14;
	_ =	sdelay $0x1  }
0x21: {  	s15 =	smul.u32 @!p1 $0xC8, s15  }
0x22: {  	s16 =	sxor.u32 @!p1 $0xFFFFFFFF, s11;
	s17 =	smul.u32 @!p1 $0xC80, s10  }
0x23: {  	s31 =	sadd.s32 $0xFFFFFFFF, s11;
	s16 =	sshll.u32 @!p1 s16, $0xD;
	s14 =	ssub.s32 @!p1 s14, s15  }
0x24: {  	s15 =	sand.u32 @!p1 $0x2000, s16;
	s16 =	sadd.s32 @!p1 s6, s17;
	s14 =	sshll.u32 @!p1 s14, $0x4  }
0x25: {  	s17 =	simm.s32 @!p1 $0x6400;
	s14 =	sadd.s32 @!p1 s14, s16;
	s16 =	simm.s32 @!p1 $0x40  }
0x26: {  	[tilespmem:s15], [sflag:$0x1] =	stream.strided.gather @!p1 [hbm4b:s14+s16], $0x2000, s17, s16, $0x38;
	[tilespmem:$0x8080] =	vst v63  }
0x27: {  	p1 =	sge.u32 s31, s5  }
.Ltmp2:
0x28: {  	_ = 	snop;
	(pc) =	sbr.rel @p1 .LBB1_5-.Ltmp2, $1  }
0x29: {  	_ =	sdelay $0x3  }
0x2a: {  	s14 =	simm.s32 $0x1  }
0x2b: {  	_ =	swait.ge [sflag:s4], $0x2000;
	s14 =	simm.s32 @!p0 $0x0  }
0x2c: {  	[sflag:s4] =	ssyncset.done $0x0;
	s15 =	sshll.u32 s14, $0xD  }
0x2d: {  	[sflag:s4] =	ssyncadd.s32 $0xFFFFE000;
	s18 =	sor.u32 $0x20, s15  }
0x2e: {  	s14 =	smul.u32 $0x8100, s14;
	v3 =	vld [tilespmem:s18+$0x10]  }
0x2f: {  	s30 =	sand.u32 $0x1, s11;
	v2 =	vld [tilespmem:s18+$0xFFFFFFF0]  }
0x30: {  	s15 =	smul.u32 $0x8100, s30;
	s14 =	sshrl.u32 s14, $0x2;
	v0 =	vld [tilespmem:s18+$0x0]  }
0x31: {  	v1 =	vld [tilespmem:s18+$0xFFFFFFE0];
	s16 =	sor.u32 $0x4000, s14  }
0x32: {  	s31 =	sshrl.u32 s15, $0x2;
	s15 =	sadd.s32 $0x0, s16  }
0x33: {  	s17 =	simm.s32 $0x4;
	s18 =	sadd.s32 $0x40, s18;
	s14 =	sor.u32 $0x4000, s31;
	[tilespmem:s15+$0x1830 ss:$0x81] =	vst.msk $0xffff, v3  }
.LBB1_3:
0x34: {  	v3 =	vld [tilespmem:s18+$0x10];
	p1 =	sne.s32 s17, $0x1FC;
	[tilespmem:s15+$0x810 ss:$0x81] =	vst.msk $0xffff, v2;
	s19 =	smov.u32 s17;
	s17 =	sadd.s32 $0x4, s17  }
.Ltmp3:
0x35: {  	v2 =	vld [tilespmem:s18+$0xFFFFFFF0];
	[tilespmem:s15+$0x1020 ss:$0x81] =	vst.msk $0xffff, v0;
	(pc) =	sbr.rel @p1 .LBB1_3-.Ltmp3, $4  }
0x36: {  	v0 =	vld [tilespmem:s18+$0x0];
	[tilespmem:s15+$0x0 ss:$0x81] =	vst.msk $0xffff, v1  }
0x37: {  	s15 =	sshra.s32 s19, $0x2;
	v1 =	vld [tilespmem:s18+$0xFFFFFFE0]  }
0x38: {  	s15 =	sadd.s32 s15, s16  }
0x39: {  	s18 =	sadd.s32 $0x40, s18;
	[tilespmem:s15+$0x1830 ss:$0x81] =	vst.msk $0xffff, v3  }
.Ltmp4:
0x3a: {  	_ = 	snop;
	(pc) =	sbr.rel .LBB1_4-.Ltmp4, $1  }
0x3b: {  	_ =	sdelay $0x3  }
.LBB1_6:
0x3c: {  	_ =	sfence.sel $0x180000  }
0x3d: {  	s2 =	simm.s32 $0x1;
	[bflag:$0x0] =	sbarrier.arrive $0xFFFF  }
0x3e: {  	s31 =	simm.s32 $0x2;
	[sflag:s2] =	ssyncpa.u1 $0x1  }
0x3f: {  	[sflag:s31] =	ssyncpa.u1 $0x1  }
0x40: {  	p0 =	sne.s32 s0, $0x0;
	_ =	strace $0x9000004A  }
0x41: {  	s0 =	sadd.s32 @!p0 $0x100000, s1;
	[bflag:$0x2] =	sbarrier.arrive $0xFFFF  }
0x42: {  	[sflag:s0] =	ssyncadd.tile.s32 @!p0 $0x1;
	_ =	shalt  }
.Lfunc_end1:
_tile_overlayer_lowered:
.L_overlay_start_2:
0x43: {  	(tag) =	ssettag $0x2  }
0x44: {  	s0 =	rddreg [dreg:$0x0];
	s2 =	stileid.u32  }
0x45: {  	s1 =	rddreg [dreg:$0x1];
	p0 =	sne.s32 s2, $0x0  }
0x46: {  	s3 =	rddreg [dreg:$0x2];
	[bflag:$0x3] =	sbarrier.arrive $0xFFFF;
	s2 =	simm.s32 @!p0 $0x1C01  }
0x47: {  	[timem:s3], [sflag:s2] =	dma.local @!p0 [hbm:s0], s1  }
0x48: {  	s0 =	simm.s32 @!p0 $0x1  }
0x49: {  	_ =	swait.ge @!p0 [sflag:s0], s1  }
0x4a: {  	s1 =	ssub.s32 @!p0 $0x0, s1;
	[sflag:s0] =	ssyncset.done @!p0 $0x0  }
0x4b: {  	[sflag:s0] =	ssyncadd.s32 @!p0 s1  }
0x4c: {  	[bflag:$0x3] =	sbarrier.arrive $0xFFFF  }
0x4d: {  	_ =	shalt  }

</sc_bundles>
